<compile_context>
chip_gen: v7x
topology: tpu7x:2x2x1
jax: 0.10.2.dev20260603
libtpu: 0.0.44.dev20260713+nightly
codegen_flags: <defaults>
</compile_context>

<pallas_src>
import functools

import jax
import jax.numpy as jnp
from jax import lax
from jax.experimental import pallas as pl
from jax.experimental.pallas import tpu as pltpu
from jax.experimental.pallas import tpu_sc as plsc

NC = 2
NS = 16
NW = NC * NS


def _build_sc_hist(N_pad, CE):
    mesh = plsc.VectorSubcoreMesh(core_axis_name="c", subcore_axis_name="s")
    SL = N_pad // NS

    @functools.partial(
        pl.kernel,
        out_type=jax.ShapeDtypeStruct((NC * N_pad,), jnp.float32),
        mesh=mesh,
        scratch_types=[
            pltpu.VMEM((CE,), jnp.int32),
            pltpu.VMEM((N_pad,), jnp.float32),
            pltpu.VMEM((NS, SL), jnp.float32),
            pltpu.VMEM((SL,), jnp.float32),
            pltpu.VMEM_SHARED((NS * N_pad,), jnp.float32),
            pltpu.SemaphoreType.DMA,
        ],
        compiler_params=pltpu.CompilerParams(needs_layout_passes=False),
    )
    def hist(recv_hbm, zeros_hbm, out_hbm, idx_v, hist_v, red_v,
             out_v, counts_sh, sem):
        c = lax.axis_index("c")
        s = lax.axis_index("s")
        wid = c * NS + s

        cpy_z = pltpu.async_copy(zeros_hbm, hist_v, sem)
        cpy_r = pltpu.async_copy(recv_hbm.at[wid], idx_v, sem)
        cpy_z.wait()
        cpy_r.wait()
        ones16 = jnp.full((16,), 1.0, jnp.float32)

        def body(j, carry):
            for u in range(5):
                sl = pl.ds(j * 80 + u * 16, 16)
                plsc.addupdate_scatter(hist_v, [idx_v[sl]], ones16)
            return carry

        lax.fori_loop(0, CE // 80, body, 0)
        pltpu.sync_copy(hist_v, counts_sh.at[pl.ds(s * N_pad, N_pad)])
        plsc.subcore_barrier()

        for k in range(NS):
            pltpu.sync_copy(counts_sh.at[pl.ds(k * N_pad + s * SL, SL)],
                            red_v.at[k])

        def rbody(t, carry):
            sl = pl.ds(t * 16, 16)
            acc = red_v[0, sl]
            for k in range(1, NS):
                acc = acc + red_v[k, sl]
            out_v[sl] = acc
            return carry

        lax.fori_loop(0, SL // 16, rbody, 0)
        pltpu.sync_copy(out_v, out_hbm.at[pl.ds(c * N_pad + s * SL, SL)])

    return hist


def _build_sc_gather(N_pad, CE):
    mesh = plsc.VectorSubcoreMesh(core_axis_name="c", subcore_axis_name="s")

    @functools.partial(
        pl.kernel,
        out_type=(
            jax.ShapeDtypeStruct((NW, CE), jnp.float32),
            jax.ShapeDtypeStruct((NW, CE), jnp.float32),
        ),
        mesh=mesh,
        scratch_types=[
            pltpu.VMEM((N_pad,), jnp.float32),
            pltpu.VMEM((N_pad,), jnp.float32),
            pltpu.VMEM((N_pad,), jnp.int32),
            pltpu.VMEM((CE,), jnp.int32),
            pltpu.VMEM((CE,), jnp.int32),
            pltpu.VMEM((CE,), jnp.float32),
            pltpu.VMEM((CE,), jnp.float32),
            pltpu.SemaphoreType.DMA,
            pltpu.SemaphoreType.DMA,
        ],
        compiler_params=pltpu.CompilerParams(needs_layout_passes=False),
    )
    def gather(counts2_hbm, numbers_hbm, recv_hbm, send_hbm, w_out, code_out,
               c0, c1, nums, ridx, sidx, wbuf, cbuf, sem_c, sem_e):
        c = lax.axis_index("c")
        s = lax.axis_index("s")
        wid = c * NS + s
        cpy_c0 = pltpu.async_copy(counts2_hbm.at[0], c0, sem_c)
        cpy_c1 = pltpu.async_copy(counts2_hbm.at[1], c1, sem_c)
        cpy_nm = pltpu.async_copy(numbers_hbm, nums, sem_e)
        cpy_ri = pltpu.async_copy(recv_hbm.at[wid], ridx, sem_e)
        cpy_si = pltpu.async_copy(send_hbm.at[wid], sidx, sem_e)
        cpy_c0.wait()
        cpy_c1.wait()

        def sum_body(j, carry):
            sl = pl.ds(j * 16, 16)
            c0[sl] = c0[sl] + c1[sl]
            return carry

        lax.fori_loop(0, N_pad // 16, sum_body, 0)
        cpy_nm.wait()
        cpy_ri.wait()
        cpy_si.wait()

        def body(j, carry):
            for u in range(5):
                sl = pl.ds(j * 80 + u * 16, 16)
                cnt = plsc.load_gather(c0, [ridx[sl]])
                wbuf[sl] = 1.0 / jnp.maximum(cnt, 1.0)
                code = plsc.load_gather(nums, [sidx[sl]])
                cbuf[sl] = code.astype(jnp.float32)
            return carry

        lax.fori_loop(0, CE // 80, body, 0)
        pltpu.sync_copy(wbuf, w_out.at[wid])
        pltpu.sync_copy(cbuf, code_out.at[wid])

    return gather


def _tc_body(NB, n_nodes, rv_ref, w_ref, code_ref, w1c, b1c, gc, btc, W2T,
             b2c, W0T, embT, ro_w1T, ro_b1c, ro_gc, ro_btc, ro_w2T, ro_b2c,
             out_ref, acc):
    i = pl.program_id(0)

    @pl.when(i == 0)
    def _():
        acc[...] = jnp.zeros((16, 1), jnp.float32)

    rv = rv_ref[...]
    x = rv[0:1, :]
    y = rv[1:2, :]
    z = rv[2:3, :]
    nsq = x * x + y * y + z * z
    n = jnp.sqrt(nsq)

    w1 = w1c[...]
    b1 = b1c[...]
    mw = jnp.mean(w1, axis=0, keepdims=True)
    mb = jnp.mean(b1, axis=0, keepdims=True)
    a = w1 - mw
    cc = b1 - mb
    Aq = jnp.mean(a * a, axis=0, keepdims=True)
    Bq = jnp.mean(a * cc, axis=0, keepdims=True)
    Cq = jnp.mean(cc * cc, axis=0, keepdims=True)
    d = lax.rsqrt(Aq * nsq + 2.0 * Bq * n + Cq + 1e-5)
    p = n * d

    g32 = gc[...]
    a2 = a * g32
    c2 = cc * g32
    h = a2 * p + c2 * d + btc[...]
    ysil = h * (1.0 / (1.0 + jnp.exp(-h)))

    dd = functools.partial(jnp.dot, preferred_element_type=jnp.float32)
    Z = dd(W2T[...].astype(jnp.bfloat16),
           ysil.astype(jnp.bfloat16)) + b2c[...]

    PT = dd(W0T[...].astype(jnp.bfloat16),
            embT[...].astype(jnp.bfloat16)) * 0.25
    PThi = PT.astype(jnp.bfloat16)
    PTlo = (PT - PThi.astype(jnp.float32)).astype(jnp.bfloat16)
    code = code_ref[...]
    iot = lax.broadcasted_iota(jnp.int32, (12, code.shape[1]), 0)
    oh = jnp.where(iot.astype(jnp.float32) == code,
                   1.0, 0.0).astype(jnp.bfloat16)
    Pcols = dd(PThi, oh) + dd(PTlo, oh)

    V = Z * Pcols * w_ref[...]
    acc[...] = acc[...] + jnp.sum(V, axis=1, keepdims=True)

    @pl.when(i == NB - 1)
    def _():
        G = acc[...] / jnp.float32(n_nodes)
        r = dd(ro_w1T[...].astype(jnp.bfloat16),
               G.astype(jnp.bfloat16)) + ro_b1c[...]
        m = jnp.mean(r, axis=0, keepdims=True)
        v = jnp.mean((r - m) ** 2, axis=0, keepdims=True)
        rh = (r - m) / jnp.sqrt(v + 1e-5) * ro_gc[...] + ro_btc[...]
        rs = rh * (1.0 / (1.0 + jnp.exp(-rh)))
        out_ref[...] = jnp.dot(ro_w2T[...], rs, preferred_element_type=jnp.float32, precision=lax.Precision.HIGHEST) + ro_b2c[...]


def _tc_forward(rvT, w_e, code_e, params, n_nodes, B=25600):
    E = rvT.shape[1]
    NB = E // B
    specs = [
        pl.BlockSpec((3, B), lambda i: (0, i)),
        pl.BlockSpec((1, B), lambda i: (0, i)),
        pl.BlockSpec((1, B), lambda i: (0, i)),
    ] + [pl.BlockSpec(p.shape, lambda i: (0, 0)) for p in params]
    return pl.pallas_call(
        functools.partial(_tc_body, NB, n_nodes),
        grid=(NB,),
        in_specs=specs,
        out_specs=pl.BlockSpec((1, 1), lambda i: (0, 0)),
        out_shape=jax.ShapeDtypeStruct((1, 1), jnp.float32),
        scratch_shapes=[pltpu.VMEM((16, 1), jnp.float32)],
        compiler_params=pltpu.CompilerParams(
            dimension_semantics=("arbitrary",)),
    )(rvT, w_e, code_e, *params)


def kernel(numbers, relative_vectors, edge_index, num_nodes, embed_table,
           W0, W1, W2, mlp_w1, mlp_b1, mlp_g, mlp_bt, mlp_w2, mlp_b2,
           ro_w1, ro_b1, ro_g, ro_bt, ro_w2, ro_b2):
    N = numbers.shape[0]
    E = relative_vectors.shape[0]
    assert E % NW == 0
    CE = E // NW
    assert CE % 80 == 0
    N_pad = -(-N // (16 * NS)) * (16 * NS)

    send = edge_index[0].astype(jnp.int32)
    recv = edge_index[1].astype(jnp.int32)
    recv_blk = recv.reshape(NW, CE)

    zeros_np = jnp.zeros((N_pad,), jnp.float32)
    numbers_pad = jnp.concatenate(
        [numbers.astype(jnp.int32), jnp.zeros((N_pad - N,), jnp.int32)])

    counts2 = _build_sc_hist(N_pad, CE)(recv_blk, zeros_np)
    counts2 = counts2.reshape(NC, N_pad)
    w_blk, code_blk = _build_sc_gather(N_pad, CE)(
        counts2, numbers_pad, recv_blk, send.reshape(NW, CE))

    rvT = relative_vectors.T
    w_e = w_blk.reshape(1, E)
    code_e = code_blk.reshape(1, E)

    params = (
        mlp_w1.reshape(32, 1),
        mlp_b1.reshape(32, 1),
        mlp_g.reshape(32, 1),
        mlp_bt.reshape(32, 1),
        mlp_w2[:, :16].T,
        mlp_b2[:16].reshape(16, 1),
        W0.T,
        embed_table.T,
        ro_w1.T,
        ro_b1.reshape(32, 1),
        ro_g.reshape(32, 1),
        ro_bt.reshape(32, 1),
        ro_w2.T,
        ro_b2.reshape(1, 1),
    )
    del num_nodes
    return _tc_forward(rvT, w_e, code_e, params, N)

# --- scband reference (transcript-rebuilt; emitter-appended) ---
"""Pipeline reference for scband-simple-network-21191368639013 (READ-ONLY COPY).

The authoritative reference and input builder live on the scoring server;
editing this copy changes nothing except your own understanding.
"""

import jax, jax.numpy as jnp
import numpy as np

N = 10000
E = 640000

def setup_inputs(seed: int = 0):
    key = jax.random.key(seed)
    ks = jax.random.split(key, 16)
    return {
        'numbers': jax.random.randint(ks[0], (N,), 0, 12),
        'relative_vectors': jax.random.normal(ks[1], (E, 3), dtype=jnp.float32),
        'edge_index': jax.random.randint(ks[2], (2, E), 0, N),
        'num_nodes': N,
        'embed_table': jax.random.normal(ks[3], (12, 16), dtype=jnp.float32),
        'W0': jax.random.normal(ks[4], (16, 16), dtype=jnp.float32),
        'W1': jax.random.normal(ks[5], (16, 16), dtype=jnp.float32),
        'W2': jax.random.normal(ks[6], (16, 16), dtype=jnp.float32),
        'mlp_w1': jax.random.normal(ks[7], (1, 32), dtype=jnp.float32),
        'mlp_b1': jnp.zeros((32,), jnp.float32),
        'mlp_g': jnp.ones((32,), jnp.float32),
        'mlp_bt': jnp.zeros((32,), jnp.float32),
        'mlp_w2': jax.random.normal(ks[8], (32, 48), dtype=jnp.float32) / np.sqrt(32.0),
        'mlp_b2': jnp.zeros((48,), jnp.float32),
        'ro_w1': jax.random.normal(ks[9], (16, 32), dtype=jnp.float32) / np.sqrt(16.0),
        'ro_b1': jnp.zeros((32,), jnp.float32),
        'ro_g': jnp.ones((32,), jnp.float32),
        'ro_bt': jnp.zeros((32,), jnp.float32),
        'ro_w2': jax.random.normal(ks[10], (32, 1), dtype=jnp.float32) / np.sqrt(32.0),
        'ro_b2': jnp.zeros((1,), jnp.float32),
    }

def _layernorm(h, g, b):
    m = h.mean(-1, keepdims=True)
    v = ((h - m) ** 2).mean(-1, keepdims=True)
    return (h - m) / jnp.sqrt(v + 1e-5) * g + b

def _forward(numbers, relative_vectors, edge_index, num_nodes, embed_table, W0, W1, W2, mlp_w1, mlp_b1, mlp_g, mlp_bt, mlp_w2, mlp_b2, ro_w1, ro_b1, ro_g, ro_bt, ro_w2, ro_b2):
    node_features = embed_table[numbers]
    senders = edge_index[0]
    receivers = edge_index[1]
    norm = jnp.linalg.norm(relative_vectors, axis=-1, keepdims=True)
    unit = relative_vectors / jnp.maximum(norm, 1e-9)
    x, y, z = unit[:, 0], unit[:, 1], unit[:, 2]
    sq3 = np.sqrt(3.0)
    sh1 = unit
    sh2 = jnp.stack([sq3 * x * z, sq3 * x * y, y * y - 0.5 * (x * x + z * z), sq3 * y * z, (sq3 / 2.0) * (z * z - x * x)], axis=-1)
    nf_e = node_features[senders]
    tp0 = nf_e
    tp1 = nf_e[:, :, None] * sh1[:, None, :]
    tp2 = nf_e[:, :, None] * sh2[:, None, :]
    s = 1.0 / np.sqrt(16.0)
    l0 = (tp0 @ W0) * s
    l1 = jnp.einsum('eim,ij->ejm', tp1, W1) * s
    l2 = jnp.einsum('eim,ij->ejm', tp2, W2) * s
    h = norm @ mlp_w1 + mlp_b1
    h = _layernorm(h, mlp_g, mlp_bt)
    h = jax.nn.silu(h)
    scal = h @ mlp_w2 + mlp_b2
    f0 = l0 * scal[:, 0:16]
    f1 = l1 * scal[:, 16:32][:, :, None]
    f2 = l2 * scal[:, 32:48][:, :, None]
    En = relative_vectors.shape[0]
    feat = jnp.concatenate([f0, f1.reshape(En, 48), f2.reshape(En, 80)], axis=-1)
    num_segments = numbers.shape[0]
    summed = jax.ops.segment_sum(feat, receivers, num_segments=num_segments)
    counts = jax.ops.segment_sum(jnp.ones((En,), feat.dtype), receivers, num_segments=num_segments)
    node_out = summed / jnp.maximum(counts, 1.0)[:, None]
    scalars_nodes = node_out[:, 0:16]
    graph_globals = jnp.sum(scalars_nodes, axis=0, keepdims=True) / num_nodes
    r = graph_globals @ ro_w1 + ro_b1
    r = _layernorm(r, ro_g, ro_bt)
    r = jax.nn.silu(r)
    return r @ ro_w2 + ro_b2

def reference(numbers, relative_vectors, edge_index, num_nodes, embed_table, W0, W1, W2, mlp_w1, mlp_b1, mlp_g, mlp_bt, mlp_w2, mlp_b2, ro_w1, ro_b1, ro_g, ro_bt, ro_w2, ro_b2):
    return _forward(numbers, relative_vectors, edge_index, num_nodes, embed_table, W0, W1, W2, mlp_w1, mlp_b1, mlp_g, mlp_bt, mlp_w2, mlp_b2, ro_w1, ro_b1, ro_g, ro_bt, ro_w2, ro_b2)

if __name__ == "__main__":
    import jax
    _d = setup_inputs()
    print(jax.jit(kernel)(*tuple(_d.values())))

</pallas_src>

<mosaic_0001>
#map = affine_map<(d0, d1) -> (0, 0)>
#map1 = affine_map<(d0, d1) -> (0)>
module attributes {stable_mosaic.version = 14 : i64} {
  func.func @hist(%arg0: i32, %arg1: i32, %arg2: memref<32x20000xi32, #tpu.memory_space<hbm>>, %arg3: memref<10240xf32, #tpu.memory_space<hbm>>, %arg4: memref<20480xf32, #tpu.memory_space<hbm>>, %arg5: memref<20000xi32, #tpu.memory_space<vmem>>, %arg6: memref<10240xf32, #tpu.memory_space<vmem>>, %arg7: memref<16x640xf32, #tpu.memory_space<vmem>>, %arg8: memref<640xf32, #tpu.memory_space<vmem>>, %arg9: memref<163840xf32, #tpu.memory_space<vmem_shared>>, %arg10: memref<!tpu.dma_semaphore, #tpu.memory_space<semaphore_mem>>) attributes {dimension_semantics = [#tpu.dimension_semantics<core_parallel>, #tpu.dimension_semantics<subcore_parallel>], iteration_bounds = array<i64: 2, 16>, scalar_prefetch = 0 : i64, scratch_operands = 6 : i64, tpu.core_type = #tpu.core_type<sc_vector_subcore>, window_params = [{transform_indices = #map}, {transform_indices = #map1}, {transform_indices = #map1}]} {
    %mul3A = arith.constant 16 : i32
    %mul3A_0 = arith.muli %arg0, %mul3A : i32
    %add3A = arith.addi %mul3A_0, %arg1 : i32
    tpu.enqueue_dma source(%arg3 : memref<10240xf32, #tpu.memory_space<hbm>>) target(%arg6 : memref<10240xf32, #tpu.memory_space<vmem>>) target_semaphore(%arg10 : memref<!tpu.dma_semaphore, #tpu.memory_space<semaphore_mem>>)
    %dma_start3A = arith.constant 0 : i32
    %dma_start3A_1 = tpu.memref_slice %arg2[%add3A, %dma_start3A] : memref<32x20000xi32, #tpu.memory_space<hbm>> -> memref<1x20000xi32, #tpu.memory_space<hbm>>
    %dma_start3A_2 = tpu.memref_squeeze %dma_start3A_1 : memref<1x20000xi32, #tpu.memory_space<hbm>> -> memref<20000xi32, #tpu.memory_space<hbm>>
    %dma_start3A_3 = arith.constant 0 : i32
    %dma_start3A_4 = tpu.memref_slice %arg2[%add3A, %dma_start3A_3] : memref<32x20000xi32, #tpu.memory_space<hbm>> -> memref<1x20000xi32, #tpu.memory_space<hbm>>
    %dma_start3A_5 = tpu.memref_squeeze %dma_start3A_4 : memref<1x20000xi32, #tpu.memory_space<hbm>> -> memref<20000xi32, #tpu.memory_space<hbm>>
    tpu.enqueue_dma source(%dma_start3A_5 : memref<20000xi32, #tpu.memory_space<hbm>>) target(%arg5 : memref<20000xi32, #tpu.memory_space<vmem>>) target_semaphore(%arg10 : memref<!tpu.dma_semaphore, #tpu.memory_space<semaphore_mem>>)
    tpu.wait_dma2 semaphore(%arg10 : memref<!tpu.dma_semaphore, #tpu.memory_space<semaphore_mem>>) src(%arg3 : memref<10240xf32, #tpu.memory_space<hbm>>) dst(%arg6 : memref<10240xf32, #tpu.memory_space<vmem>>)
    %dma_wait3A = arith.constant 0 : i32
    %dma_wait3A_6 = tpu.memref_slice %arg2[%add3A, %dma_wait3A] : memref<32x20000xi32, #tpu.memory_space<hbm>> -> memref<1x20000xi32, #tpu.memory_space<hbm>>
    %dma_wait3A_7 = tpu.memref_squeeze %dma_wait3A_6 : memref<1x20000xi32, #tpu.memory_space<hbm>> -> memref<20000xi32, #tpu.memory_space<hbm>>
    %dma_wait3A_8 = arith.constant 0 : i32
    %dma_wait3A_9 = tpu.memref_slice %arg2[%add3A, %dma_wait3A_8] : memref<32x20000xi32, #tpu.memory_space<hbm>> -> memref<1x20000xi32, #tpu.memory_space<hbm>>
    %dma_wait3A_10 = tpu.memref_squeeze %dma_wait3A_9 : memref<1x20000xi32, #tpu.memory_space<hbm>> -> memref<20000xi32, #tpu.memory_space<hbm>>
    tpu.wait_dma2 semaphore(%arg10 : memref<!tpu.dma_semaphore, #tpu.memory_space<semaphore_mem>>) src(%dma_wait3A_10 : memref<20000xi32, #tpu.memory_space<hbm>>) dst(%arg5 : memref<20000xi32, #tpu.memory_space<vmem>>)
    %broadcast_in_dim3A = arith.constant 1.000000e+00 : f32
    %broadcast_in_dim3A_11 = vector.broadcast %broadcast_in_dim3A : f32 to vector<16xf32>
    %scan3A = arith.constant 0 : i32
    %scan3A_12 = arith.constant 0 : i32
    %scan3A_13 = arith.constant 250 : i32
    %scan3A_14 = arith.addi %scan3A_12, %scan3A_13 : i32
    %scan3A_15 = arith.constant 1 : i32
    scf.for %scan3A_109 = %scan3A_12 to %scan3A_14 step %scan3A_15  : i32 {
      %mul3A_110 = arith.constant 80 : i32
      %mul3A_111 = arith.muli %scan3A_109, %mul3A_110 : i32
      %add3A_112 = arith.constant 0 : i32
      %add3A_113 = arith.addi %mul3A_111, %add3A_112 : i32
      %get3A = arith.index_cast %add3A_113 : i32 to index
      %get3A_114 = tpu.vector_load %arg5[%get3A] {strides = array<i32>} : memref<20000xi32, #tpu.memory_space<vmem>>, vector<16xi32>,
      tpu.vector_store_idx %arg6[%get3A_114], %broadcast_in_dim3A_11 {add = true} : memref<10240xf32, #tpu.memory_space<vmem>>[vector<16xi32>], vector<16xf32>,
      %mul3A_115 = arith.constant 80 : i32
      %mul3A_116 = arith.muli %scan3A_109, %mul3A_115 : i32
      %add3A_117 = arith.constant 16 : i32
      %add3A_118 = arith.addi %mul3A_116, %add3A_117 : i32
      %get3A_119 = arith.index_cast %add3A_118 : i32 to index
      %get3A_120 = tpu.vector_load %arg5[%get3A_119] {strides = array<i32>} : memref<20000xi32, #tpu.memory_space<vmem>>, vector<16xi32>,
      tpu.vector_store_idx %arg6[%get3A_120], %broadcast_in_dim3A_11 {add = true} : memref<10240xf32, #tpu.memory_space<vmem>>[vector<16xi32>], vector<16xf32>,
      %mul3A_121 = arith.constant 80 : i32
      %mul3A_122 = arith.muli %scan3A_109, %mul3A_121 : i32
      %add3A_123 = arith.constant 32 : i32
      %add3A_124 = arith.addi %mul3A_122, %add3A_123 : i32
      %get3A_125 = arith.index_cast %add3A_124 : i32 to index
      %get3A_126 = tpu.vector_load %arg5[%get3A_125] {strides = array<i32>} : memref<20000xi32, #tpu.memory_space<vmem>>, vector<16xi32>,
      tpu.vector_store_idx %arg6[%get3A_126], %broadcast_in_dim3A_11 {add = true} : memref<10240xf32, #tpu.memory_space<vmem>>[vector<16xi32>], vector<16xf32>,
      %mul3A_127 = arith.constant 80 : i32
      %mul3A_128 = arith.muli %scan3A_109, %mul3A_127 : i32
      %add3A_129 = arith.constant 48 : i32
      %add3A_130 = arith.addi %mul3A_128, %add3A_129 : i32
      %get3A_131 = arith.index_cast %add3A_130 : i32 to index
      %get3A_132 = tpu.vector_load %arg5[%get3A_131] {strides = array<i32>} : memref<20000xi32, #tpu.memory_space<vmem>>, vector<16xi32>,
      tpu.vector_store_idx %arg6[%get3A_132], %broadcast_in_dim3A_11 {add = true} : memref<10240xf32, #tpu.memory_space<vmem>>[vector<16xi32>], vector<16xf32>,
      %mul3A_133 = arith.constant 80 : i32
      %mul3A_134 = arith.muli %scan3A_109, %mul3A_133 : i32
      %add3A_135 = arith.constant 64 : i32
      %add3A_136 = arith.addi %mul3A_134, %add3A_135 : i32
      %get3A_137 = arith.index_cast %add3A_136 : i32 to index
      %get3A_138 = tpu.vector_load %arg5[%get3A_137] {strides = array<i32>} : memref<20000xi32, #tpu.memory_space<vmem>>, vector<16xi32>,
      tpu.vector_store_idx %arg6[%get3A_138], %broadcast_in_dim3A_11 {add = true} : memref<10240xf32, #tpu.memory_space<vmem>>[vector<16xi32>], vector<16xf32>,
    }
    %scan3A_16 = arith.constant 250 : i32
    %mul3A_17 = arith.constant 10240 : i32
    %mul3A_18 = arith.muli %arg1, %mul3A_17 : i32
    "tpu.region"() ({
      %run_scoped3A_109 = tpu.sem_alloc : memref<!tpu.dma_semaphore, #tpu.memory_space<semaphore_mem>>
      %dma_start3A_110 = tpu.memref_slice %arg9[%mul3A_18] : memref<163840xf32, #tpu.memory_space<vmem_shared>> -> memref<10240xf32, #tpu.memory_space<vmem_shared>>
      %dma_start3A_111 = tpu.memref_slice %arg9[%mul3A_18] : memref<163840xf32, #tpu.memory_space<vmem_shared>> -> memref<10240xf32, #tpu.memory_space<vmem_shared>>
      tpu.enqueue_dma source(%arg6 : memref<10240xf32, #tpu.memory_space<vmem>>) target(%dma_start3A_111 : memref<10240xf32, #tpu.memory_space<vmem_shared>>) target_semaphore(%run_scoped3A_109 : memref<!tpu.dma_semaphore, #tpu.memory_space<semaphore_mem>>)
      %dma_wait3A_112 = tpu.memref_slice %arg9[%mul3A_18] : memref<163840xf32, #tpu.memory_space<vmem_shared>> -> memref<10240xf32, #tpu.memory_space<vmem_shared>>
      %dma_wait3A_113 = tpu.memref_slice %arg9[%mul3A_18] : memref<163840xf32, #tpu.memory_space<vmem_shared>> -> memref<10240xf32, #tpu.memory_space<vmem_shared>>
      tpu.wait_dma2 semaphore(%run_scoped3A_109 : memref<!tpu.dma_semaphore, #tpu.memory_space<semaphore_mem>>) src(%arg6 : memref<10240xf32, #tpu.memory_space<vmem>>) dst(%dma_wait3A_113 : memref<10240xf32, #tpu.memory_space<vmem_shared>>)
      tpu.yield
    }) : () -> ()
    %barrier3A = arith.constant 0 : index
    tpu.barrier barrier_id(%barrier3A)
    %mul3A_19 = arith.constant 640 : i32
    %mul3A_20 = arith.muli %arg1, %mul3A_19 : i32
    %add3A_21 = arith.constant 0 : i32
    %add3A_22 = arith.addi %add3A_21, %mul3A_20 : i32
    %run_scoped3A = arith.constant 0 : i32
    "tpu.region"() ({
      %run_scoped3A_109 = tpu.sem_alloc : memref<!tpu.dma_semaphore, #tpu.memory_space<semaphore_mem>>
      %dma_start3A_110 = arith.constant 0 : i32
      %dma_start3A_111 = tpu.memref_slice %arg7[%run_scoped3A, %dma_start3A_110] : memref<16x640xf32, #tpu.memory_space<vmem>> -> memref<1x640xf32, #tpu.memory_space<vmem>>
      %dma_start3A_112 = tpu.memref_squeeze %dma_start3A_111 : memref<1x640xf32, #tpu.memory_space<vmem>> -> memref<640xf32, #tpu.memory_space<vmem>>
      %dma_start3A_113 = tpu.memref_slice %arg9[%add3A_22] : memref<163840xf32, #tpu.memory_space<vmem_shared>> -> memref<640xf32, #tpu.memory_space<vmem_shared>>
      %dma_start3A_114 = arith.constant 0 : i32
      %dma_start3A_115 = tpu.memref_slice %arg7[%run_scoped3A, %dma_start3A_114] : memref<16x640xf32, #tpu.memory_space<vmem>> -> memref<1x640xf32, #tpu.memory_space<vmem>>
      %dma_start3A_116 = tpu.memref_squeeze %dma_start3A_115 : memref<1x640xf32, #tpu.memory_space<vmem>> -> memref<640xf32, #tpu.memory_space<vmem>>
      %dma_start3A_117 = tpu.memref_slice %arg9[%add3A_22] : memref<163840xf32, #tpu.memory_space<vmem_shared>> -> memref<640xf32, #tpu.memory_space<vmem_shared>>
      tpu.enqueue_dma source(%dma_start3A_117 : memref<640xf32, #tpu.memory_space<vmem_shared>>) target(%dma_start3A_116 : memref<640xf32, #tpu.memory_space<vmem>>) target_semaphore(%run_scoped3A_109 : memref<!tpu.dma_semaphore, #tpu.memory_space<semaphore_mem>>)
      %dma_wait3A_118 = arith.constant 0 : i32
      %dma_wait3A_119 = tpu.memref_slice %arg7[%run_scoped3A, %dma_wait3A_118] : memref<16x640xf32, #tpu.memory_space<vmem>> -> memref<1x640xf32, #tpu.memory_space<vmem>>
      %dma_wait3A_120 = tpu.memref_squeeze %dma_wait3A_119 : memref<1x640xf32, #tpu.memory_space<vmem>> -> memref<640xf32, #tpu.memory_space<vmem>>
      %dma_wait3A_121 = tpu.memref_slice %arg9[%add3A_22] : memref<163840xf32, #tpu.memory_space<vmem_shared>> -> memref<640xf32, #tpu.memory_space<vmem_shared>>
      %dma_wait3A_122 = arith.constant 0 : i32
      %dma_wait3A_123 = tpu.memref_slice %arg7[%run_scoped3A, %dma_wait3A_122] : memref<16x640xf32, #tpu.memory_space<vmem>> -> memref<1x640xf32, #tpu.memory_space<vmem>>
      %dma_wait3A_124 = tpu.memref_squeeze %dma_wait3A_123 : memref<1x640xf32, #tpu.memory_space<vmem>> -> memref<640xf32, #tpu.memory_space<vmem>>
      %dma_wait3A_125 = tpu.memref_slice %arg9[%add3A_22] : memref<163840xf32, #tpu.memory_space<vmem_shared>> -> memref<640xf32, #tpu.memory_space<vmem_shared>>
      tpu.wait_dma2 semaphore(%run_scoped3A_109 : memref<!tpu.dma_semaphore, #tpu.memory_space<semaphore_mem>>) src(%dma_wait3A_125 : memref<640xf32, #tpu.memory_space<vmem_shared>>) dst(%dma_wait3A_124 : memref<640xf32, #tpu.memory_space<vmem>>)
      tpu.yield
    }) : () -> ()
    %mul3A_23 = arith.constant 640 : i32
    %mul3A_24 = arith.muli %arg1, %mul3A_23 : i32
    %add3A_25 = arith.constant 10240 : i32
    %add3A_26 = arith.addi %add3A_25, %mul3A_24 : i32
    %run_scoped3A_27 = arith.constant 1 : i32
    "tpu.region"() ({
      %run_scoped3A_109 = tpu.sem_alloc : memref<!tpu.dma_semaphore, #tpu.memory_space<semaphore_mem>>
      %dma_start3A_110 = arith.constant 0 : i32
      %dma_start3A_111 = tpu.memref_slice %arg7[%run_scoped3A_27, %dma_start3A_110] : memref<16x640xf32, #tpu.memory_space<vmem>> -> memref<1x640xf32, #tpu.memory_space<vmem>>
      %dma_start3A_112 = tpu.memref_squeeze %dma_start3A_111 : memref<1x640xf32, #tpu.memory_space<vmem>> -> memref<640xf32, #tpu.memory_space<vmem>>
      %dma_start3A_113 = tpu.memref_slice %arg9[%add3A_26] : memref<163840xf32, #tpu.memory_space<vmem_shared>> -> memref<640xf32, #tpu.memory_space<vmem_shared>>
      %dma_start3A_114 = arith.constant 0 : i32
      %dma_start3A_115 = tpu.memref_slice %arg7[%run_scoped3A_27, %dma_start3A_114] : memref<16x640xf32, #tpu.memory_space<vmem>> -> memref<1x640xf32, #tpu.memory_space<vmem>>
      %dma_start3A_116 = tpu.memref_squeeze %dma_start3A_115 : memref<1x640xf32, #tpu.memory_space<vmem>> -> memref<640xf32, #tpu.memory_space<vmem>>
      %dma_start3A_117 = tpu.memref_slice %arg9[%add3A_26] : memref<163840xf32, #tpu.memory_space<vmem_shared>> -> memref<640xf32, #tpu.memory_space<vmem_shared>>
      tpu.enqueue_dma source(%dma_start3A_117 : memref<640xf32, #tpu.memory_space<vmem_shared>>) target(%dma_start3A_116 : memref<640xf32, #tpu.memory_space<vmem>>) target_semaphore(%run_scoped3A_109 : memref<!tpu.dma_semaphore, #tpu.memory_space<semaphore_mem>>)
      %dma_wait3A_118 = arith.constant 0 : i32
      %dma_wait3A_119 = tpu.memref_slice %arg7[%run_scoped3A_27, %dma_wait3A_118] : memref<16x640xf32, #tpu.memory_space<vmem>> -> memref<1x640xf32, #tpu.memory_space<vmem>>
      %dma_wait3A_120 = tpu.memref_squeeze %dma_wait3A_119 : memref<1x640xf32, #tpu.memory_space<vmem>> -> memref<640xf32, #tpu.memory_space<vmem>>
      %dma_wait3A_121 = tpu.memref_slice %arg9[%add3A_26] : memref<163840xf32, #tpu.memory_space<vmem_shared>> -> memref<640xf32, #tpu.memory_space<vmem_shared>>
      %dma_wait3A_122 = arith.constant 0 : i32
      %dma_wait3A_123 = tpu.memref_slice %arg7[%run_scoped3A_27, %dma_wait3A_122] : memref<16x640xf32, #tpu.memory_space<vmem>> -> memref<1x640xf32, #tpu.memory_space<vmem>>
      %dma_wait3A_124 = tpu.memref_squeeze %dma_wait3A_123 : memref<1x640xf32, #tpu.memory_space<vmem>> -> memref<640xf32, #tpu.memory_space<vmem>>
      %dma_wait3A_125 = tpu.memref_slice %arg9[%add3A_26] : memref<163840xf32, #tpu.memory_space<vmem_shared>> -> memref<640xf32, #tpu.memory_space<vmem_shared>>
      tpu.wait_dma2 semaphore(%run_scoped3A_109 : memref<!tpu.dma_semaphore, #tpu.memory_space<semaphore_mem>>) src(%dma_wait3A_125 : memref<640xf32, #tpu.memory_space<vmem_shared>>) dst(%dma_wait3A_124 : memref<640xf32, #tpu.memory_space<vmem>>)
      tpu.yield
    }) : () -> ()
    %mul3A_28 = arith.constant 640 : i32
    %mul3A_29 = arith.muli %arg1, %mul3A_28 : i32
    %add3A_30 = arith.constant 20480 : i32
    %add3A_31 = arith.addi %add3A_30, %mul3A_29 : i32
    %run_scoped3A_32 = arith.constant 2 : i32
    "tpu.region"() ({
      %run_scoped3A_109 = tpu.sem_alloc : memref<!tpu.dma_semaphore, #tpu.memory_space<semaphore_mem>>
      %dma_start3A_110 = arith.constant 0 : i32
      %dma_start3A_111 = tpu.memref_slice %arg7[%run_scoped3A_32, %dma_start3A_110] : memref<16x640xf32, #tpu.memory_space<vmem>> -> memref<1x640xf32, #tpu.memory_space<vmem>>
      %dma_start3A_112 = tpu.memref_squeeze %dma_start3A_111 : memref<1x640xf32, #tpu.memory_space<vmem>> -> memref<640xf32, #tpu.memory_space<vmem>>
      %dma_start3A_113 = tpu.memref_slice %arg9[%add3A_31] : memref<163840xf32, #tpu.memory_space<vmem_shared>> -> memref<640xf32, #tpu.memory_space<vmem_shared>>
      %dma_start3A_114 = arith.constant 0 : i32
      %dma_start3A_115 = tpu.memref_slice %arg7[%run_scoped3A_32, %dma_start3A_114] : memref<16x640xf32, #tpu.memory_space<vmem>> -> memref<1x640xf32, #tpu.memory_space<vmem>>
      %dma_start3A_116 = tpu.memref_squeeze %dma_start3A_115 : memref<1x640xf32, #tpu.memory_space<vmem>> -> memref<640xf32, #tpu.memory_space<vmem>>
      %dma_start3A_117 = tpu.memref_slice %arg9[%add3A_31] : memref<163840xf32, #tpu.memory_space<vmem_shared>> -> memref<640xf32, #tpu.memory_space<vmem_shared>>
      tpu.enqueue_dma source(%dma_start3A_117 : memref<640xf32, #tpu.memory_space<vmem_shared>>) target(%dma_start3A_116 : memref<640xf32, #tpu.memory_space<vmem>>) target_semaphore(%run_scoped3A_109 : memref<!tpu.dma_semaphore, #tpu.memory_space<semaphore_mem>>)
      %dma_wait3A_118 = arith.constant 0 : i32
      %dma_wait3A_119 = tpu.memref_slice %arg7[%run_scoped3A_32, %dma_wait3A_118] : memref<16x640xf32, #tpu.memory_space<vmem>> -> memref<1x640xf32, #tpu.memory_space<vmem>>
      %dma_wait3A_120 = tpu.memref_squeeze %dma_wait3A_119 : memref<1x640xf32, #tpu.memory_space<vmem>> -> memref<640xf32, #tpu.memory_space<vmem>>
      %dma_wait3A_121 = tpu.memref_slice %arg9[%add3A_31] : memref<163840xf32, #tpu.memory_space<vmem_shared>> -> memref<640xf32, #tpu.memory_space<vmem_shared>>
      %dma_wait3A_122 = arith.constant 0 : i32
      %dma_wait3A_123 = tpu.memref_slice %arg7[%run_scoped3A_32, %dma_wait3A_122] : memref<16x640xf32, #tpu.memory_space<vmem>> -> memref<1x640xf32, #tpu.memory_space<vmem>>
      %dma_wait3A_124 = tpu.memref_squeeze %dma_wait3A_123 : memref<1x640xf32, #tpu.memory_space<vmem>> -> memref<640xf32, #tpu.memory_space<vmem>>
      %dma_wait3A_125 = tpu.memref_slice %arg9[%add3A_31] : memref<163840xf32, #tpu.memory_space<vmem_shared>> -> memref<640xf32, #tpu.memory_space<vmem_shared>>
      tpu.wait_dma2 semaphore(%run_scoped3A_109 : memref<!tpu.dma_semaphore, #tpu.memory_space<semaphore_mem>>) src(%dma_wait3A_125 : memref<640xf32, #tpu.memory_space<vmem_shared>>) dst(%dma_wait3A_124 : memref<640xf32, #tpu.memory_space<vmem>>)
      tpu.yield
    }) : () -> ()
    %mul3A_33 = arith.constant 640 : i32
    %mul3A_34 = arith.muli %arg1, %mul3A_33 : i32
    %add3A_35 = arith.constant 30720 : i32
    %add3A_36 = arith.addi %add3A_35, %mul3A_34 : i32
    %run_scoped3A_37 = arith.constant 3 : i32
    "tpu.region"() ({
      %run_scoped3A_109 = tpu.sem_alloc : memref<!tpu.dma_semaphore, #tpu.memory_space<semaphore_mem>>
      %dma_start3A_110 = arith.constant 0 : i32
      %dma_start3A_111 = tpu.memref_slice %arg7[%run_scoped3A_37, %dma_start3A_110] : memref<16x640xf32, #tpu.memory_space<vmem>> -> memref<1x640xf32, #tpu.memory_space<vmem>>
      %dma_start3A_112 = tpu.memref_squeeze %dma_start3A_111 : memref<1x640xf32, #tpu.memory_space<vmem>> -> memref<640xf32, #tpu.memory_space<vmem>>
      %dma_start3A_113 = tpu.memref_slice %arg9[%add3A_36] : memref<163840xf32, #tpu.memory_space<vmem_shared>> -> memref<640xf32, #tpu.memory_space<vmem_shared>>
      %dma_start3A_114 = arith.constant 0 : i32
      %dma_start3A_115 = tpu.memref_slice %arg7[%run_scoped3A_37, %dma_start3A_114] : memref<16x640xf32, #tpu.memory_space<vmem>> -> memref<1x640xf32, #tpu.memory_space<vmem>>
      %dma_start3A_116 = tpu.memref_squeeze %dma_start3A_115 : memref<1x640xf32, #tpu.memory_space<vmem>> -> memref<640xf32, #tpu.memory_space<vmem>>
      %dma_start3A_117 = tpu.memref_slice %arg9[%add3A_36] : memref<163840xf32, #tpu.memory_space<vmem_shared>> -> memref<640xf32, #tpu.memory_space<vmem_shared>>
      tpu.enqueue_dma source(%dma_start3A_117 : memref<640xf32, #tpu.memory_space<vmem_shared>>) target(%dma_start3A_116 : memref<640xf32, #tpu.memory_space<vmem>>) target_semaphore(%run_scoped3A_109 : memref<!tpu.dma_semaphore, #tpu.memory_space<semaphore_mem>>)
      %dma_wait3A_118 = arith.constant 0 : i32
      %dma_wait3A_119 = tpu.memref_slice %arg7[%run_scoped3A_37, %dma_wait3A_118] : memref<16x640xf32, #tpu.memory_space<vmem>> -> memref<1x640xf32, #tpu.memory_space<vmem>>
      %dma_wait3A_120 = tpu.memref_squeeze %dma_wait3A_119 : memref<1x640xf32, #tpu.memory_space<vmem>> -> memref<640xf32, #tpu.memory_space<vmem>>
      %dma_wait3A_121 = tpu.memref_slice %arg9[%add3A_36] : memref<163840xf32, #tpu.memory_space<vmem_shared>> -> memref<640xf32, #tpu.memory_space<vmem_shared>>
      %dma_wait3A_122 = arith.constant 0 : i32
      %dma_wait3A_123 = tpu.memref_slice %arg7[%run_scoped3A_37, %dma_wait3A_122] : memref<16x640xf32, #tpu.memory_space<vmem>> -> memref<1x640xf32, #tpu.memory_space<vmem>>
      %dma_wait3A_124 = tpu.memref_squeeze %dma_wait3A_123 : memref<1x640xf32, #tpu.memory_space<vmem>> -> memref<640xf32, #tpu.memory_space<vmem>>
      %dma_wait3A_125 = tpu.memref_slice %arg9[%add3A_36] : memref<163840xf32, #tpu.memory_space<vmem_shared>> -> memref<640xf32, #tpu.memory_space<vmem_shared>>
      tpu.wait_dma2 semaphore(%run_scoped3A_109 : memref<!tpu.dma_semaphore, #tpu.memory_space<semaphore_mem>>) src(%dma_wait3A_125 : memref<640xf32, #tpu.memory_space<vmem_shared>>) dst(%dma_wait3A_124 : memref<640xf32, #tpu.memory_space<vmem>>)
      tpu.yield
    }) : () -> ()
    %mul3A_38 = arith.constant 640 : i32
    %mul3A_39 = arith.muli %arg1, %mul3A_38 : i32
    %add3A_40 = arith.constant 40960 : i32
    %add3A_41 = arith.addi %add3A_40, %mul3A_39 : i32
    %run_scoped3A_42 = arith.constant 4 : i32
    "tpu.region"() ({
      %run_scoped3A_109 = tpu.sem_alloc : memref<!tpu.dma_semaphore, #tpu.memory_space<semaphore_mem>>
      %dma_start3A_110 = arith.constant 0 : i32
      %dma_start3A_111 = tpu.memref_slice %arg7[%run_scoped3A_42, %dma_start3A_110] : memref<16x640xf32, #tpu.memory_space<vmem>> -> memref<1x640xf32, #tpu.memory_space<vmem>>
      %dma_start3A_112 = tpu.memref_squeeze %dma_start3A_111 : memref<1x640xf32, #tpu.memory_space<vmem>> -> memref<640xf32, #tpu.memory_space<vmem>>
      %dma_start3A_113 = tpu.memref_slice %arg9[%add3A_41] : memref<163840xf32, #tpu.memory_space<vmem_shared>> -> memref<640xf32, #tpu.memory_space<vmem_shared>>
      %dma_start3A_114 = arith.constant 0 : i32
      %dma_start3A_115 = tpu.memref_slice %arg7[%run_scoped3A_42, %dma_start3A_114] : memref<16x640xf32, #tpu.memory_space<vmem>> -> memref<1x640xf32, #tpu.memory_space<vmem>>
      %dma_start3A_116 = tpu.memref_squeeze %dma_start3A_115 : memref<1x640xf32, #tpu.memory_space<vmem>> -> memref<640xf32, #tpu.memory_space<vmem>>
      %dma_start3A_117 = tpu.memref_slice %arg9[%add3A_41] : memref<163840xf32, #tpu.memory_space<vmem_shared>> -> memref<640xf32, #tpu.memory_space<vmem_shared>>
      tpu.enqueue_dma source(%dma_start3A_117 : memref<640xf32, #tpu.memory_space<vmem_shared>>) target(%dma_start3A_116 : memref<640xf32, #tpu.memory_space<vmem>>) target_semaphore(%run_scoped3A_109 : memref<!tpu.dma_semaphore, #tpu.memory_space<semaphore_mem>>)
      %dma_wait3A_118 = arith.constant 0 : i32
      %dma_wait3A_119 = tpu.memref_slice %arg7[%run_scoped3A_42, %dma_wait3A_118] : memref<16x640xf32, #tpu.memory_space<vmem>> -> memref<1x640xf32, #tpu.memory_space<vmem>>
      %dma_wait3A_120 = tpu.memref_squeeze %dma_wait3A_119 : memref<1x640xf32, #tpu.memory_space<vmem>> -> memref<640xf32, #tpu.memory_space<vmem>>
      %dma_wait3A_121 = tpu.memref_slice %arg9[%add3A_41] : memref<163840xf32, #tpu.memory_space<vmem_shared>> -> memref<640xf32, #tpu.memory_space<vmem_shared>>
      %dma_wait3A_122 = arith.constant 0 : i32
      %dma_wait3A_123 = tpu.memref_slice %arg7[%run_scoped3A_42, %dma_wait3A_122] : memref<16x640xf32, #tpu.memory_space<vmem>> -> memref<1x640xf32, #tpu.memory_space<vmem>>
      %dma_wait3A_124 = tpu.memref_squeeze %dma_wait3A_123 : memref<1x640xf32, #tpu.memory_space<vmem>> -> memref<640xf32, #tpu.memory_space<vmem>>
      %dma_wait3A_125 = tpu.memref_slice %arg9[%add3A_41] : memref<163840xf32, #tpu.memory_space<vmem_shared>> -> memref<640xf32, #tpu.memory_space<vmem_shared>>
      tpu.wait_dma2 semaphore(%run_scoped3A_109 : memref<!tpu.dma_semaphore, #tpu.memory_space<semaphore_mem>>) src(%dma_wait3A_125 : memref<640xf32, #tpu.memory_space<vmem_shared>>) dst(%dma_wait3A_124 : memref<640xf32, #tpu.memory_space<vmem>>)
      tpu.yield
    }) : () -> ()
    %mul3A_43 = arith.constant 640 : i32
    %mul3A_44 = arith.muli %arg1, %mul3A_43 : i32
    %add3A_45 = arith.constant 51200 : i32
    %add3A_46 = arith.addi %add3A_45, %mul3A_44 : i32
    %run_scoped3A_47 = arith.constant 5 : i32
    "tpu.region"() ({
      %run_scoped3A_109 = tpu.sem_alloc : memref<!tpu.dma_semaphore, #tpu.memory_space<semaphore_mem>>
      %dma_start3A_110 = arith.constant 0 : i32
      %dma_start3A_111 = tpu.memref_slice %arg7[%run_scoped3A_47, %dma_start3A_110] : memref<16x640xf32, #tpu.memory_space<vmem>> -> memref<1x640xf32, #tpu.memory_space<vmem>>
      %dma_start3A_112 = tpu.memref_squeeze %dma_start3A_111 : memref<1x640xf32, #tpu.memory_space<vmem>> -> memref<640xf32, #tpu.memory_space<vmem>>
      %dma_start3A_113 = tpu.memref_slice %arg9[%add3A_46] : memref<163840xf32, #tpu.memory_space<vmem_shared>> -> memref<640xf32, #tpu.memory_space<vmem_shared>>
      %dma_start3A_114 = arith.constant 0 : i32
      %dma_start3A_115 = tpu.memref_slice %arg7[%run_scoped3A_47, %dma_start3A_114] : memref<16x640xf32, #tpu.memory_space<vmem>> -> memref<1x640xf32, #tpu.memory_space<vmem>>
      %dma_start3A_116 = tpu.memref_squeeze %dma_start3A_115 : memref<1x640xf32, #tpu.memory_space<vmem>> -> memref<640xf32, #tpu.memory_space<vmem>>
      %dma_start3A_117 = tpu.memref_slice %arg9[%add3A_46] : memref<163840xf32, #tpu.memory_space<vmem_shared>> -> memref<640xf32, #tpu.memory_space<vmem_shared>>
      tpu.enqueue_dma source(%dma_start3A_117 : memref<640xf32, #tpu.memory_space<vmem_shared>>) target(%dma_start3A_116 : memref<640xf32, #tpu.memory_space<vmem>>) target_semaphore(%run_scoped3A_109 : memref<!tpu.dma_semaphore, #tpu.memory_space<semaphore_mem>>)
      %dma_wait3A_118 = arith.constant 0 : i32
      %dma_wait3A_119 = tpu.memref_slice %arg7[%run_scoped3A_47, %dma_wait3A_118] : memref<16x640xf32, #tpu.memory_space<vmem>> -> memref<1x640xf32, #tpu.memory_space<vmem>>
      %dma_wait3A_120 = tpu.memref_squeeze %dma_wait3A_119 : memref<1x640xf32, #tpu.memory_space<vmem>> -> memref<640xf32, #tpu.memory_space<vmem>>
      %dma_wait3A_121 = tpu.memref_slice %arg9[%add3A_46] : memref<163840xf32, #tpu.memory_space<vmem_shared>> -> memref<640xf32, #tpu.memory_space<vmem_shared>>
      %dma_wait3A_122 = arith.constant 0 : i32
      %dma_wait3A_123 = tpu.memref_slice %arg7[%run_scoped3A_47, %dma_wait3A_122] : memref<16x640xf32, #tpu.memory_space<vmem>> -> memref<1x640xf32, #tpu.memory_space<vmem>>
      %dma_wait3A_124 = tpu.memref_squeeze %dma_wait3A_123 : memref<1x640xf32, #tpu.memory_space<vmem>> -> memref<640xf32, #tpu.memory_space<vmem>>
      %dma_wait3A_125 = tpu.memref_slice %arg9[%add3A_46] : memref<163840xf32, #tpu.memory_space<vmem_shared>> -> memref<640xf32, #tpu.memory_space<vmem_shared>>
      tpu.wait_dma2 semaphore(%run_scoped3A_109 : memref<!tpu.dma_semaphore, #tpu.memory_space<semaphore_mem>>) src(%dma_wait3A_125 : memref<640xf32, #tpu.memory_space<vmem_shared>>) dst(%dma_wait3A_124 : memref<640xf32, #tpu.memory_space<vmem>>)
      tpu.yield
    }) : () -> ()
    %mul3A_48 = arith.constant 640 : i32
    %mul3A_49 = arith.muli %arg1, %mul3A_48 : i32
    %add3A_50 = arith.constant 61440 : i32
    %add3A_51 = arith.addi %add3A_50, %mul3A_49 : i32
    %run_scoped3A_52 = arith.constant 6 : i32
    "tpu.region"() ({
      %run_scoped3A_109 = tpu.sem_alloc : memref<!tpu.dma_semaphore, #tpu.memory_space<semaphore_mem>>
      %dma_start3A_110 = arith.constant 0 : i32
      %dma_start3A_111 = tpu.memref_slice %arg7[%run_scoped3A_52, %dma_start3A_110] : memref<16x640xf32, #tpu.memory_space<vmem>> -> memref<1x640xf32, #tpu.memory_space<vmem>>
      %dma_start3A_112 = tpu.memref_squeeze %dma_start3A_111 : memref<1x640xf32, #tpu.memory_space<vmem>> -> memref<640xf32, #tpu.memory_space<vmem>>
      %dma_start3A_113 = tpu.memref_slice %arg9[%add3A_51] : memref<163840xf32, #tpu.memory_space<vmem_shared>> -> memref<640xf32, #tpu.memory_space<vmem_shared>>
      %dma_start3A_114 = arith.constant 0 : i32
      %dma_start3A_115 = tpu.memref_slice %arg7[%run_scoped3A_52, %dma_start3A_114] : memref<16x640xf32, #tpu.memory_space<vmem>> -> memref<1x640xf32, #tpu.memory_space<vmem>>
      %dma_start3A_116 = tpu.memref_squeeze %dma_start3A_115 : memref<1x640xf32, #tpu.memory_space<vmem>> -> memref<640xf32, #tpu.memory_space<vmem>>
      %dma_start3A_117 = tpu.memref_slice %arg9[%add3A_51] : memref<163840xf32, #tpu.memory_space<vmem_shared>> -> memref<640xf32, #tpu.memory_space<vmem_shared>>
      tpu.enqueue_dma source(%dma_start3A_117 : memref<640xf32, #tpu.memory_space<vmem_shared>>) target(%dma_start3A_116 : memref<640xf32, #tpu.memory_space<vmem>>) target_semaphore(%run_scoped3A_109 : memref<!tpu.dma_semaphore, #tpu.memory_space<semaphore_mem>>)
      %dma_wait3A_118 = arith.constant 0 : i32
      %dma_wait3A_119 = tpu.memref_slice %arg7[%run_scoped3A_52, %dma_wait3A_118] : memref<16x640xf32, #tpu.memory_space<vmem>> -> memref<1x640xf32, #tpu.memory_space<vmem>>
      %dma_wait3A_120 = tpu.memref_squeeze %dma_wait3A_119 : memref<1x640xf32, #tpu.memory_space<vmem>> -> memref<640xf32, #tpu.memory_space<vmem>>
      %dma_wait3A_121 = tpu.memref_slice %arg9[%add3A_51] : memref<163840xf32, #tpu.memory_space<vmem_shared>> -> memref<640xf32, #tpu.memory_space<vmem_shared>>
      %dma_wait3A_122 = arith.constant 0 : i32
      %dma_wait3A_123 = tpu.memref_slice %arg7[%run_scoped3A_52, %dma_wait3A_122] : memref<16x640xf32, #tpu.memory_space<vmem>> -> memref<1x640xf32, #tpu.memory_space<vmem>>
      %dma_wait3A_124 = tpu.memref_squeeze %dma_wait3A_123 : memref<1x640xf32, #tpu.memory_space<vmem>> -> memref<640xf32, #tpu.memory_space<vmem>>
      %dma_wait3A_125 = tpu.memref_slice %arg9[%add3A_51] : memref<163840xf32, #tpu.memory_space<vmem_shared>> -> memref<640xf32, #tpu.memory_space<vmem_shared>>
      tpu.wait_dma2 semaphore(%run_scoped3A_109 : memref<!tpu.dma_semaphore, #tpu.memory_space<semaphore_mem>>) src(%dma_wait3A_125 : memref<640xf32, #tpu.memory_space<vmem_shared>>) dst(%dma_wait3A_124 : memref<640xf32, #tpu.memory_space<vmem>>)
      tpu.yield
    }) : () -> ()
    %mul3A_53 = arith.constant 640 : i32
    %mul3A_54 = arith.muli %arg1, %mul3A_53 : i32
    %add3A_55 = arith.constant 71680 : i32
    %add3A_56 = arith.addi %add3A_55, %mul3A_54 : i32
    %run_scoped3A_57 = arith.constant 7 : i32
    "tpu.region"() ({
      %run_scoped3A_109 = tpu.sem_alloc : memref<!tpu.dma_semaphore, #tpu.memory_space<semaphore_mem>>
      %dma_start3A_110 = arith.constant 0 : i32
      %dma_start3A_111 = tpu.memref_slice %arg7[%run_scoped3A_57, %dma_start3A_110] : memref<16x640xf32, #tpu.memory_space<vmem>> -> memref<1x640xf32, #tpu.memory_space<vmem>>
      %dma_start3A_112 = tpu.memref_squeeze %dma_start3A_111 : memref<1x640xf32, #tpu.memory_space<vmem>> -> memref<640xf32, #tpu.memory_space<vmem>>
      %dma_start3A_113 = tpu.memref_slice %arg9[%add3A_56] : memref<163840xf32, #tpu.memory_space<vmem_shared>> -> memref<640xf32, #tpu.memory_space<vmem_shared>>
      %dma_start3A_114 = arith.constant 0 : i32
      %dma_start3A_115 = tpu.memref_slice %arg7[%run_scoped3A_57, %dma_start3A_114] : memref<16x640xf32, #tpu.memory_space<vmem>> -> memref<1x640xf32, #tpu.memory_space<vmem>>
      %dma_start3A_116 = tpu.memref_squeeze %dma_start3A_115 : memref<1x640xf32, #tpu.memory_space<vmem>> -> memref<640xf32, #tpu.memory_space<vmem>>
      %dma_start3A_117 = tpu.memref_slice %arg9[%add3A_56] : memref<163840xf32, #tpu.memory_space<vmem_shared>> -> memref<640xf32, #tpu.memory_space<vmem_shared>>
      tpu.enqueue_dma source(%dma_start3A_117 : memref<640xf32, #tpu.memory_space<vmem_shared>>) target(%dma_start3A_116 : memref<640xf32, #tpu.memory_space<vmem>>) target_semaphore(%run_scoped3A_109 : memref<!tpu.dma_semaphore, #tpu.memory_space<semaphore_mem>>)
      %dma_wait3A_118 = arith.constant 0 : i32
      %dma_wait3A_119 = tpu.memref_slice %arg7[%run_scoped3A_57, %dma_wait3A_118] : memref<16x640xf32, #tpu.memory_space<vmem>> -> memref<1x640xf32, #tpu.memory_space<vmem>>
      %dma_wait3A_120 = tpu.memref_squeeze %dma_wait3A_119 : memref<1x640xf32, #tpu.memory_space<vmem>> -> memref<640xf32, #tpu.memory_space<vmem>>
      %dma_wait3A_121 = tpu.memref_slice %arg9[%add3A_56] : memref<163840xf32, #tpu.memory_space<vmem_shared>> -> memref<640xf32, #tpu.memory_space<vmem_shared>>
      %dma_wait3A_122 = arith.constant 0 : i32
      %dma_wait3A_123 = tpu.memref_slice %arg7[%run_scoped3A_57, %dma_wait3A_122] : memref<16x640xf32, #tpu.memory_space<vmem>> -> memref<1x640xf32, #tpu.memory_space<vmem>>
      %dma_wait3A_124 = tpu.memref_squeeze %dma_wait3A_123 : memref<1x640xf32, #tpu.memory_space<vmem>> -> memref<640xf32, #tpu.memory_space<vmem>>
      %dma_wait3A_125 = tpu.memref_slice %arg9[%add3A_56] : memref<163840xf32, #tpu.memory_space<vmem_shared>> -> memref<640xf32, #tpu.memory_space<vmem_shared>>
      tpu.wait_dma2 semaphore(%run_scoped3A_109 : memref<!tpu.dma_semaphore, #tpu.memory_space<semaphore_mem>>) src(%dma_wait3A_125 : memref<640xf32, #tpu.memory_space<vmem_shared>>) dst(%dma_wait3A_124 : memref<640xf32, #tpu.memory_space<vmem>>)
      tpu.yield
    }) : () -> ()
    %mul3A_58 = arith.constant 640 : i32
    %mul3A_59 = arith.muli %arg1, %mul3A_58 : i32
    %add3A_60 = arith.constant 81920 : i32
    %add3A_61 = arith.addi %add3A_60, %mul3A_59 : i32
    %run_scoped3A_62 = arith.constant 8 : i32
    "tpu.region"() ({
      %run_scoped3A_109 = tpu.sem_alloc : memref<!tpu.dma_semaphore, #tpu.memory_space<semaphore_mem>>
      %dma_start3A_110 = arith.constant 0 : i32
      %dma_start3A_111 = tpu.memref_slice %arg7[%run_scoped3A_62, %dma_start3A_110] : memref<16x640xf32, #tpu.memory_space<vmem>> -> memref<1x640xf32, #tpu.memory_space<vmem>>
      %dma_start3A_112 = tpu.memref_squeeze %dma_start3A_111 : memref<1x640xf32, #tpu.memory_space<vmem>> -> memref<640xf32, #tpu.memory_space<vmem>>
      %dma_start3A_113 = tpu.memref_slice %arg9[%add3A_61] : memref<163840xf32, #tpu.memory_space<vmem_shared>> -> memref<640xf32, #tpu.memory_space<vmem_shared>>
      %dma_start3A_114 = arith.constant 0 : i32
      %dma_start3A_115 = tpu.memref_slice %arg7[%run_scoped3A_62, %dma_start3A_114] : memref<16x640xf32, #tpu.memory_space<vmem>> -> memref<1x640xf32, #tpu.memory_space<vmem>>
      %dma_start3A_116 = tpu.memref_squeeze %dma_start3A_115 : memref<1x640xf32, #tpu.memory_space<vmem>> -> memref<640xf32, #tpu.memory_space<vmem>>
      %dma_start3A_117 = tpu.memref_slice %arg9[%add3A_61] : memref<163840xf32, #tpu.memory_space<vmem_shared>> -> memref<640xf32, #tpu.memory_space<vmem_shared>>
      tpu.enqueue_dma source(%dma_start3A_117 : memref<640xf32, #tpu.memory_space<vmem_shared>>) target(%dma_start3A_116 : memref<640xf32, #tpu.memory_space<vmem>>) target_semaphore(%run_scoped3A_109 : memref<!tpu.dma_semaphore, #tpu.memory_space<semaphore_mem>>)
      %dma_wait3A_118 = arith.constant 0 : i32
      %dma_wait3A_119 = tpu.memref_slice %arg7[%run_scoped3A_62, %dma_wait3A_118] : memref<16x640xf32, #tpu.memory_space<vmem>> -> memref<1x640xf32, #tpu.memory_space<vmem>>
      %dma_wait3A_120 = tpu.memref_squeeze %dma_wait3A_119 : memref<1x640xf32, #tpu.memory_space<vmem>> -> memref<640xf32, #tpu.memory_space<vmem>>
      %dma_wait3A_121 = tpu.memref_slice %arg9[%add3A_61] : memref<163840xf32, #tpu.memory_space<vmem_shared>> -> memref<640xf32, #tpu.memory_space<vmem_shared>>
      %dma_wait3A_122 = arith.constant 0 : i32
      %dma_wait3A_123 = tpu.memref_slice %arg7[%run_scoped3A_62, %dma_wait3A_122] : memref<16x640xf32, #tpu.memory_space<vmem>> -> memref<1x640xf32, #tpu.memory_space<vmem>>
      %dma_wait3A_124 = tpu.memref_squeeze %dma_wait3A_123 : memref<1x640xf32, #tpu.memory_space<vmem>> -> memref<640xf32, #tpu.memory_space<vmem>>
      %dma_wait3A_125 = tpu.memref_slice %arg9[%add3A_61] : memref<163840xf32, #tpu.memory_space<vmem_shared>> -> memref<640xf32, #tpu.memory_space<vmem_shared>>
      tpu.wait_dma2 semaphore(%run_scoped3A_109 : memref<!tpu.dma_semaphore, #tpu.memory_space<semaphore_mem>>) src(%dma_wait3A_125 : memref<640xf32, #tpu.memory_space<vmem_shared>>) dst(%dma_wait3A_124 : memref<640xf32, #tpu.memory_space<vmem>>)
      tpu.yield
    }) : () -> ()
    %mul3A_63 = arith.constant 640 : i32
    %mul3A_64 = arith.muli %arg1, %mul3A_63 : i32
    %add3A_65 = arith.constant 92160 : i32
    %add3A_66 = arith.addi %add3A_65, %mul3A_64 : i32
    %run_scoped3A_67 = arith.constant 9 : i32
    "tpu.region"() ({
      %run_scoped3A_109 = tpu.sem_alloc : memref<!tpu.dma_semaphore, #tpu.memory_space<semaphore_mem>>
      %dma_start3A_110 = arith.constant 0 : i32
      %dma_start3A_111 = tpu.memref_slice %arg7[%run_scoped3A_67, %dma_start3A_110] : memref<16x640xf32, #tpu.memory_space<vmem>> -> memref<1x640xf32, #tpu.memory_space<vmem>>
      %dma_start3A_112 = tpu.memref_squeeze %dma_start3A_111 : memref<1x640xf32, #tpu.memory_space<vmem>> -> memref<640xf32, #tpu.memory_space<vmem>>
      %dma_start3A_113 = tpu.memref_slice %arg9[%add3A_66] : memref<163840xf32, #tpu.memory_space<vmem_shared>> -> memref<640xf32, #tpu.memory_space<vmem_shared>>
      %dma_start3A_114 = arith.constant 0 : i32
      %dma_start3A_115 = tpu.memref_slice %arg7[%run_scoped3A_67, %dma_start3A_114] : memref<16x640xf32, #tpu.memory_space<vmem>> -> memref<1x640xf32, #tpu.memory_space<vmem>>
      %dma_start3A_116 = tpu.memref_squeeze %dma_start3A_115 : memref<1x640xf32, #tpu.memory_space<vmem>> -> memref<640xf32, #tpu.memory_space<vmem>>
      %dma_start3A_117 = tpu.memref_slice %arg9[%add3A_66] : memref<163840xf32, #tpu.memory_space<vmem_shared>> -> memref<640xf32, #tpu.memory_space<vmem_shared>>
      tpu.enqueue_dma source(%dma_start3A_117 : memref<640xf32, #tpu.memory_space<vmem_shared>>) target(%dma_start3A_116 : memref<640xf32, #tpu.memory_space<vmem>>) target_semaphore(%run_scoped3A_109 : memref<!tpu.dma_semaphore, #tpu.memory_space<semaphore_mem>>)
      %dma_wait3A_118 = arith.constant 0 : i32
      %dma_wait3A_119 = tpu.memref_slice %arg7[%run_scoped3A_67, %dma_wait3A_118] : memref<16x640xf32, #tpu.memory_space<vmem>> -> memref<1x640xf32, #tpu.memory_space<vmem>>
      %dma_wait3A_120 = tpu.memref_squeeze %dma_wait3A_119 : memref<1x640xf32, #tpu.memory_space<vmem>> -> memref<640xf32, #tpu.memory_space<vmem>>
      %dma_wait3A_121 = tpu.memref_slice %arg9[%add3A_66] : memref<163840xf32, #tpu.memory_space<vmem_shared>> -> memref<640xf32, #tpu.memory_space<vmem_shared>>
      %dma_wait3A_122 = arith.constant 0 : i32
      %dma_wait3A_123 = tpu.memref_slice %arg7[%run_scoped3A_67, %dma_wait3A_122] : memref<16x640xf32, #tpu.memory_space<vmem>> -> memref<1x640xf32, #tpu.memory_space<vmem>>
      %dma_wait3A_124 = tpu.memref_squeeze %dma_wait3A_123 : memref<1x640xf32, #tpu.memory_space<vmem>> -> memref<640xf32, #tpu.memory_space<vmem>>
      %dma_wait3A_125 = tpu.memref_slice %arg9[%add3A_66] : memref<163840xf32, #tpu.memory_space<vmem_shared>> -> memref<640xf32, #tpu.memory_space<vmem_shared>>
      tpu.wait_dma2 semaphore(%run_scoped3A_109 : memref<!tpu.dma_semaphore, #tpu.memory_space<semaphore_mem>>) src(%dma_wait3A_125 : memref<640xf32, #tpu.memory_space<vmem_shared>>) dst(%dma_wait3A_124 : memref<640xf32, #tpu.memory_space<vmem>>)
      tpu.yield
    }) : () -> ()
    %mul3A_68 = arith.constant 640 : i32
    %mul3A_69 = arith.muli %arg1, %mul3A_68 : i32
    %add3A_70 = arith.constant 102400 : i32
    %add3A_71 = arith.addi %add3A_70, %mul3A_69 : i32
    %run_scoped3A_72 = arith.constant 10 : i32
    "tpu.region"() ({
      %run_scoped3A_109 = tpu.sem_alloc : memref<!tpu.dma_semaphore, #tpu.memory_space<semaphore_mem>>
      %dma_start3A_110 = arith.constant 0 : i32
      %dma_start3A_111 = tpu.memref_slice %arg7[%run_scoped3A_72, %dma_start3A_110] : memref<16x640xf32, #tpu.memory_space<vmem>> -> memref<1x640xf32, #tpu.memory_space<vmem>>
      %dma_start3A_112 = tpu.memref_squeeze %dma_start3A_111 : memref<1x640xf32, #tpu.memory_space<vmem>> -> memref<640xf32, #tpu.memory_space<vmem>>
      %dma_start3A_113 = tpu.memref_slice %arg9[%add3A_71] : memref<163840xf32, #tpu.memory_space<vmem_shared>> -> memref<640xf32, #tpu.memory_space<vmem_shared>>
      %dma_start3A_114 = arith.constant 0 : i32
      %dma_start3A_115 = tpu.memref_slice %arg7[%run_scoped3A_72, %dma_start3A_114] : memref<16x640xf32, #tpu.memory_space<vmem>> -> memref<1x640xf32, #tpu.memory_space<vmem>>
      %dma_start3A_116 = tpu.memref_squeeze %dma_start3A_115 : memref<1x640xf32, #tpu.memory_space<vmem>> -> memref<640xf32, #tpu.memory_space<vmem>>
      %dma_start3A_117 = tpu.memref_slice %arg9[%add3A_71] : memref<163840xf32, #tpu.memory_space<vmem_shared>> -> memref<640xf32, #tpu.memory_space<vmem_shared>>
      tpu.enqueue_dma source(%dma_start3A_117 : memref<640xf32, #tpu.memory_space<vmem_shared>>) target(%dma_start3A_116 : memref<640xf32, #tpu.memory_space<vmem>>) target_semaphore(%run_scoped3A_109 : memref<!tpu.dma_semaphore, #tpu.memory_space<semaphore_mem>>)
      %dma_wait3A_118 = arith.constant 0 : i32
      %dma_wait3A_119 = tpu.memref_slice %arg7[%run_scoped3A_72, %dma_wait3A_118] : memref<16x640xf32, #tpu.memory_space<vmem>> -> memref<1x640xf32, #tpu.memory_space<vmem>>
      %dma_wait3A_120 = tpu.memref_squeeze %dma_wait3A_119 : memref<1x640xf32, #tpu.memory_space<vmem>> -> memref<640xf32, #tpu.memory_space<vmem>>
      %dma_wait3A_121 = tpu.memref_slice %arg9[%add3A_71] : memref<163840xf32, #tpu.memory_space<vmem_shared>> -> memref<640xf32, #tpu.memory_space<vmem_shared>>
      %dma_wait3A_122 = arith.constant 0 : i32
      %dma_wait3A_123 = tpu.memref_slice %arg7[%run_scoped3A_72, %dma_wait3A_122] : memref<16x640xf32, #tpu.memory_space<vmem>> -> memref<1x640xf32, #tpu.memory_space<vmem>>
      %dma_wait3A_124 = tpu.memref_squeeze %dma_wait3A_123 : memref<1x640xf32, #tpu.memory_space<vmem>> -> memref<640xf32, #tpu.memory_space<vmem>>
      %dma_wait3A_125 = tpu.memref_slice %arg9[%add3A_71] : memref<163840xf32, #tpu.memory_space<vmem_shared>> -> memref<640xf32, #tpu.memory_space<vmem_shared>>
      tpu.wait_dma2 semaphore(%run_scoped3A_109 : memref<!tpu.dma_semaphore, #tpu.memory_space<semaphore_mem>>) src(%dma_wait3A_125 : memref<640xf32, #tpu.memory_space<vmem_shared>>) dst(%dma_wait3A_124 : memref<640xf32, #tpu.memory_space<vmem>>)
      tpu.yield
    }) : () -> ()
    %mul3A_73 = arith.constant 640 : i32
    %mul3A_74 = arith.muli %arg1, %mul3A_73 : i32
    %add3A_75 = arith.constant 112640 : i32
    %add3A_76 = arith.addi %add3A_75, %mul3A_74 : i32
    %run_scoped3A_77 = arith.constant 11 : i32
    "tpu.region"() ({
      %run_scoped3A_109 = tpu.sem_alloc : memref<!tpu.dma_semaphore, #tpu.memory_space<semaphore_mem>>
      %dma_start3A_110 = arith.constant 0 : i32
      %dma_start3A_111 = tpu.memref_slice %arg7[%run_scoped3A_77, %dma_start3A_110] : memref<16x640xf32, #tpu.memory_space<vmem>> -> memref<1x640xf32, #tpu.memory_space<vmem>>
      %dma_start3A_112 = tpu.memref_squeeze %dma_start3A_111 : memref<1x640xf32, #tpu.memory_space<vmem>> -> memref<640xf32, #tpu.memory_space<vmem>>
      %dma_start3A_113 = tpu.memref_slice %arg9[%add3A_76] : memref<163840xf32, #tpu.memory_space<vmem_shared>> -> memref<640xf32, #tpu.memory_space<vmem_shared>>
      %dma_start3A_114 = arith.constant 0 : i32
      %dma_start3A_115 = tpu.memref_slice %arg7[%run_scoped3A_77, %dma_start3A_114] : memref<16x640xf32, #tpu.memory_space<vmem>> -> memref<1x640xf32, #tpu.memory_space<vmem>>
      %dma_start3A_116 = tpu.memref_squeeze %dma_start3A_115 : memref<1x640xf32, #tpu.memory_space<vmem>> -> memref<640xf32, #tpu.memory_space<vmem>>
      %dma_start3A_117 = tpu.memref_slice %arg9[%add3A_76] : memref<163840xf32, #tpu.memory_space<vmem_shared>> -> memref<640xf32, #tpu.memory_space<vmem_shared>>
      tpu.enqueue_dma source(%dma_start3A_117 : memref<640xf32, #tpu.memory_space<vmem_shared>>) target(%dma_start3A_116 : memref<640xf32, #tpu.memory_space<vmem>>) target_semaphore(%run_scoped3A_109 : memref<!tpu.dma_semaphore, #tpu.memory_space<semaphore_mem>>)
      %dma_wait3A_118 = arith.constant 0 : i32
      %dma_wait3A_119 = tpu.memref_slice %arg7[%run_scoped3A_77, %dma_wait3A_118] : memref<16x640xf32, #tpu.memory_space<vmem>> -> memref<1x640xf32, #tpu.memory_space<vmem>>
      %dma_wait3A_120 = tpu.memref_squeeze %dma_wait3A_119 : memref<1x640xf32, #tpu.memory_space<vmem>> -> memref<640xf32, #tpu.memory_space<vmem>>
      %dma_wait3A_121 = tpu.memref_slice %arg9[%add3A_76] : memref<163840xf32, #tpu.memory_space<vmem_shared>> -> memref<640xf32, #tpu.memory_space<vmem_shared>>
      %dma_wait3A_122 = arith.constant 0 : i32
      %dma_wait3A_123 = tpu.memref_slice %arg7[%run_scoped3A_77, %dma_wait3A_122] : memref<16x640xf32, #tpu.memory_space<vmem>> -> memref<1x640xf32, #tpu.memory_space<vmem>>
      %dma_wait3A_124 = tpu.memref_squeeze %dma_wait3A_123 : memref<1x640xf32, #tpu.memory_space<vmem>> -> memref<640xf32, #tpu.memory_space<vmem>>
      %dma_wait3A_125 = tpu.memref_slice %arg9[%add3A_76] : memref<163840xf32, #tpu.memory_space<vmem_shared>> -> memref<640xf32, #tpu.memory_space<vmem_shared>>
      tpu.wait_dma2 semaphore(%run_scoped3A_109 : memref<!tpu.dma_semaphore, #tpu.memory_space<semaphore_mem>>) src(%dma_wait3A_125 : memref<640xf32, #tpu.memory_space<vmem_shared>>) dst(%dma_wait3A_124 : memref<640xf32, #tpu.memory_space<vmem>>)
      tpu.yield
    }) : () -> ()
    %mul3A_78 = arith.constant 640 : i32
    %mul3A_79 = arith.muli %arg1, %mul3A_78 : i32
    %add3A_80 = arith.constant 122880 : i32
    %add3A_81 = arith.addi %add3A_80, %mul3A_79 : i32
    %run_scoped3A_82 = arith.constant 12 : i32
    "tpu.region"() ({
      %run_scoped3A_109 = tpu.sem_alloc : memref<!tpu.dma_semaphore, #tpu.memory_space<semaphore_mem>>
      %dma_start3A_110 = arith.constant 0 : i32
      %dma_start3A_111 = tpu.memref_slice %arg7[%run_scoped3A_82, %dma_start3A_110] : memref<16x640xf32, #tpu.memory_space<vmem>> -> memref<1x640xf32, #tpu.memory_space<vmem>>
      %dma_start3A_112 = tpu.memref_squeeze %dma_start3A_111 : memref<1x640xf32, #tpu.memory_space<vmem>> -> memref<640xf32, #tpu.memory_space<vmem>>
      %dma_start3A_113 = tpu.memref_slice %arg9[%add3A_81] : memref<163840xf32, #tpu.memory_space<vmem_shared>> -> memref<640xf32, #tpu.memory_space<vmem_shared>>
      %dma_start3A_114 = arith.constant 0 : i32
      %dma_start3A_115 = tpu.memref_slice %arg7[%run_scoped3A_82, %dma_start3A_114] : memref<16x640xf32, #tpu.memory_space<vmem>> -> memref<1x640xf32, #tpu.memory_space<vmem>>
      %dma_start3A_116 = tpu.memref_squeeze %dma_start3A_115 : memref<1x640xf32, #tpu.memory_space<vmem>> -> memref<640xf32, #tpu.memory_space<vmem>>
      %dma_start3A_117 = tpu.memref_slice %arg9[%add3A_81] : memref<163840xf32, #tpu.memory_space<vmem_shared>> -> memref<640xf32, #tpu.memory_space<vmem_shared>>
      tpu.enqueue_dma source(%dma_start3A_117 : memref<640xf32, #tpu.memory_space<vmem_shared>>) target(%dma_start3A_116 : memref<640xf32, #tpu.memory_space<vmem>>) target_semaphore(%run_scoped3A_109 : memref<!tpu.dma_semaphore, #tpu.memory_space<semaphore_mem>>)
      %dma_wait3A_118 = arith.constant 0 : i32
      %dma_wait3A_119 = tpu.memref_slice %arg7[%run_scoped3A_82, %dma_wait3A_118] : memref<16x640xf32, #tpu.memory_space<vmem>> -> memref<1x640xf32, #tpu.memory_space<vmem>>
      %dma_wait3A_120 = tpu.memref_squeeze %dma_wait3A_119 : memref<1x640xf32, #tpu.memory_space<vmem>> -> memref<640xf32, #tpu.memory_space<vmem>>
      %dma_wait3A_121 = tpu.memref_slice %arg9[%add3A_81] : memref<163840xf32, #tpu.memory_space<vmem_shared>> -> memref<640xf32, #tpu.memory_space<vmem_shared>>
      %dma_wait3A_122 = arith.constant 0 : i32
      %dma_wait3A_123 = tpu.memref_slice %arg7[%run_scoped3A_82, %dma_wait3A_122] : memref<16x640xf32, #tpu.memory_space<vmem>> -> memref<1x640xf32, #tpu.memory_space<vmem>>
      %dma_wait3A_124 = tpu.memref_squeeze %dma_wait3A_123 : memref<1x640xf32, #tpu.memory_space<vmem>> -> memref<640xf32, #tpu.memory_space<vmem>>
      %dma_wait3A_125 = tpu.memref_slice %arg9[%add3A_81] : memref<163840xf32, #tpu.memory_space<vmem_shared>> -> memref<640xf32, #tpu.memory_space<vmem_shared>>
      tpu.wait_dma2 semaphore(%run_scoped3A_109 : memref<!tpu.dma_semaphore, #tpu.memory_space<semaphore_mem>>) src(%dma_wait3A_125 : memref<640xf32, #tpu.memory_space<vmem_shared>>) dst(%dma_wait3A_124 : memref<640xf32, #tpu.memory_space<vmem>>)
      tpu.yield
    }) : () -> ()
    %mul3A_83 = arith.constant 640 : i32
    %mul3A_84 = arith.muli %arg1, %mul3A_83 : i32
    %add3A_85 = arith.constant 133120 : i32
    %add3A_86 = arith.addi %add3A_85, %mul3A_84 : i32
    %run_scoped3A_87 = arith.constant 13 : i32
    "tpu.region"() ({
      %run_scoped3A_109 = tpu.sem_alloc : memref<!tpu.dma_semaphore, #tpu.memory_space<semaphore_mem>>
      %dma_start3A_110 = arith.constant 0 : i32
      %dma_start3A_111 = tpu.memref_slice %arg7[%run_scoped3A_87, %dma_start3A_110] : memref<16x640xf32, #tpu.memory_space<vmem>> -> memref<1x640xf32, #tpu.memory_space<vmem>>
      %dma_start3A_112 = tpu.memref_squeeze %dma_start3A_111 : memref<1x640xf32, #tpu.memory_space<vmem>> -> memref<640xf32, #tpu.memory_space<vmem>>
      %dma_start3A_113 = tpu.memref_slice %arg9[%add3A_86] : memref<163840xf32, #tpu.memory_space<vmem_shared>> -> memref<640xf32, #tpu.memory_space<vmem_shared>>
      %dma_start3A_114 = arith.constant 0 : i32
      %dma_start3A_115 = tpu.memref_slice %arg7[%run_scoped3A_87, %dma_start3A_114] : memref<16x640xf32, #tpu.memory_space<vmem>> -> memref<1x640xf32, #tpu.memory_space<vmem>>
      %dma_start3A_116 = tpu.memref_squeeze %dma_start3A_115 : memref<1x640xf32, #tpu.memory_space<vmem>> -> memref<640xf32, #tpu.memory_space<vmem>>
      %dma_start3A_117 = tpu.memref_slice %arg9[%add3A_86] : memref<163840xf32, #tpu.memory_space<vmem_shared>> -> memref<640xf32, #tpu.memory_space<vmem_shared>>
      tpu.enqueue_dma source(%dma_start3A_117 : memref<640xf32, #tpu.memory_space<vmem_shared>>) target(%dma_start3A_116 : memref<640xf32, #tpu.memory_space<vmem>>) target_semaphore(%run_scoped3A_109 : memref<!tpu.dma_semaphore, #tpu.memory_space<semaphore_mem>>)
      %dma_wait3A_118 = arith.constant 0 : i32
      %dma_wait3A_119 = tpu.memref_slice %arg7[%run_scoped3A_87, %dma_wait3A_118] : memref<16x640xf32, #tpu.memory_space<vmem>> -> memref<1x640xf32, #tpu.memory_space<vmem>>
      %dma_wait3A_120 = tpu.memref_squeeze %dma_wait3A_119 : memref<1x640xf32, #tpu.memory_space<vmem>> -> memref<640xf32, #tpu.memory_space<vmem>>
      %dma_wait3A_121 = tpu.memref_slice %arg9[%add3A_86] : memref<163840xf32, #tpu.memory_space<vmem_shared>> -> memref<640xf32, #tpu.memory_space<vmem_shared>>
      %dma_wait3A_122 = arith.constant 0 : i32
      %dma_wait3A_123 = tpu.memref_slice %arg7[%run_scoped3A_87, %dma_wait3A_122] : memref<16x640xf32, #tpu.memory_space<vmem>> -> memref<1x640xf32, #tpu.memory_space<vmem>>
      %dma_wait3A_124 = tpu.memref_squeeze %dma_wait3A_123 : memref<1x640xf32, #tpu.memory_space<vmem>> -> memref<640xf32, #tpu.memory_space<vmem>>
      %dma_wait3A_125 = tpu.memref_slice %arg9[%add3A_86] : memref<163840xf32, #tpu.memory_space<vmem_shared>> -> memref<640xf32, #tpu.memory_space<vmem_shared>>
      tpu.wait_dma2 semaphore(%run_scoped3A_109 : memref<!tpu.dma_semaphore, #tpu.memory_space<semaphore_mem>>) src(%dma_wait3A_125 : memref<640xf32, #tpu.memory_space<vmem_shared>>) dst(%dma_wait3A_124 : memref<640xf32, #tpu.memory_space<vmem>>)
      tpu.yield
    }) : () -> ()
    %mul3A_88 = arith.constant 640 : i32
    %mul3A_89 = arith.muli %arg1, %mul3A_88 : i32
    %add3A_90 = arith.constant 143360 : i32
    %add3A_91 = arith.addi %add3A_90, %mul3A_89 : i32
    %run_scoped3A_92 = arith.constant 14 : i32
    "tpu.region"() ({
      %run_scoped3A_109 = tpu.sem_alloc : memref<!tpu.dma_semaphore, #tpu.memory_space<semaphore_mem>>
      %dma_start3A_110 = arith.constant 0 : i32
      %dma_start3A_111 = tpu.memref_slice %arg7[%run_scoped3A_92, %dma_start3A_110] : memref<16x640xf32, #tpu.memory_space<vmem>> -> memref<1x640xf32, #tpu.memory_space<vmem>>
      %dma_start3A_112 = tpu.memref_squeeze %dma_start3A_111 : memref<1x640xf32, #tpu.memory_space<vmem>> -> memref<640xf32, #tpu.memory_space<vmem>>
      %dma_start3A_113 = tpu.memref_slice %arg9[%add3A_91] : memref<163840xf32, #tpu.memory_space<vmem_shared>> -> memref<640xf32, #tpu.memory_space<vmem_shared>>
      %dma_start3A_114 = arith.constant 0 : i32
      %dma_start3A_115 = tpu.memref_slice %arg7[%run_scoped3A_92, %dma_start3A_114] : memref<16x640xf32, #tpu.memory_space<vmem>> -> memref<1x640xf32, #tpu.memory_space<vmem>>
      %dma_start3A_116 = tpu.memref_squeeze %dma_start3A_115 : memref<1x640xf32, #tpu.memory_space<vmem>> -> memref<640xf32, #tpu.memory_space<vmem>>
      %dma_start3A_117 = tpu.memref_slice %arg9[%add3A_91] : memref<163840xf32, #tpu.memory_space<vmem_shared>> -> memref<640xf32, #tpu.memory_space<vmem_shared>>
      tpu.enqueue_dma source(%dma_start3A_117 : memref<640xf32, #tpu.memory_space<vmem_shared>>) target(%dma_start3A_116 : memref<640xf32, #tpu.memory_space<vmem>>) target_semaphore(%run_scoped3A_109 : memref<!tpu.dma_semaphore, #tpu.memory_space<semaphore_mem>>)
      %dma_wait3A_118 = arith.constant 0 : i32
      %dma_wait3A_119 = tpu.memref_slice %arg7[%run_scoped3A_92, %dma_wait3A_118] : memref<16x640xf32, #tpu.memory_space<vmem>> -> memref<1x640xf32, #tpu.memory_space<vmem>>
      %dma_wait3A_120 = tpu.memref_squeeze %dma_wait3A_119 : memref<1x640xf32, #tpu.memory_space<vmem>> -> memref<640xf32, #tpu.memory_space<vmem>>
      %dma_wait3A_121 = tpu.memref_slice %arg9[%add3A_91] : memref<163840xf32, #tpu.memory_space<vmem_shared>> -> memref<640xf32, #tpu.memory_space<vmem_shared>>
      %dma_wait3A_122 = arith.constant 0 : i32
      %dma_wait3A_123 = tpu.memref_slice %arg7[%run_scoped3A_92, %dma_wait3A_122] : memref<16x640xf32, #tpu.memory_space<vmem>> -> memref<1x640xf32, #tpu.memory_space<vmem>>
      %dma_wait3A_124 = tpu.memref_squeeze %dma_wait3A_123 : memref<1x640xf32, #tpu.memory_space<vmem>> -> memref<640xf32, #tpu.memory_space<vmem>>
      %dma_wait3A_125 = tpu.memref_slice %arg9[%add3A_91] : memref<163840xf32, #tpu.memory_space<vmem_shared>> -> memref<640xf32, #tpu.memory_space<vmem_shared>>
      tpu.wait_dma2 semaphore(%run_scoped3A_109 : memref<!tpu.dma_semaphore, #tpu.memory_space<semaphore_mem>>) src(%dma_wait3A_125 : memref<640xf32, #tpu.memory_space<vmem_shared>>) dst(%dma_wait3A_124 : memref<640xf32, #tpu.memory_space<vmem>>)
      tpu.yield
    }) : () -> ()
    %mul3A_93 = arith.constant 640 : i32
    %mul3A_94 = arith.muli %arg1, %mul3A_93 : i32
    %add3A_95 = arith.constant 153600 : i32
    %add3A_96 = arith.addi %add3A_95, %mul3A_94 : i32
    %run_scoped3A_97 = arith.constant 15 : i32
    "tpu.region"() ({
      %run_scoped3A_109 = tpu.sem_alloc : memref<!tpu.dma_semaphore, #tpu.memory_space<semaphore_mem>>
      %dma_start3A_110 = arith.constant 0 : i32
      %dma_start3A_111 = tpu.memref_slice %arg7[%run_scoped3A_97, %dma_start3A_110] : memref<16x640xf32, #tpu.memory_space<vmem>> -> memref<1x640xf32, #tpu.memory_space<vmem>>
      %dma_start3A_112 = tpu.memref_squeeze %dma_start3A_111 : memref<1x640xf32, #tpu.memory_space<vmem>> -> memref<640xf32, #tpu.memory_space<vmem>>
      %dma_start3A_113 = tpu.memref_slice %arg9[%add3A_96] : memref<163840xf32, #tpu.memory_space<vmem_shared>> -> memref<640xf32, #tpu.memory_space<vmem_shared>>
      %dma_start3A_114 = arith.constant 0 : i32
      %dma_start3A_115 = tpu.memref_slice %arg7[%run_scoped3A_97, %dma_start3A_114] : memref<16x640xf32, #tpu.memory_space<vmem>> -> memref<1x640xf32, #tpu.memory_space<vmem>>
      %dma_start3A_116 = tpu.memref_squeeze %dma_start3A_115 : memref<1x640xf32, #tpu.memory_space<vmem>> -> memref<640xf32, #tpu.memory_space<vmem>>
      %dma_start3A_117 = tpu.memref_slice %arg9[%add3A_96] : memref<163840xf32, #tpu.memory_space<vmem_shared>> -> memref<640xf32, #tpu.memory_space<vmem_shared>>
      tpu.enqueue_dma source(%dma_start3A_117 : memref<640xf32, #tpu.memory_space<vmem_shared>>) target(%dma_start3A_116 : memref<640xf32, #tpu.memory_space<vmem>>) target_semaphore(%run_scoped3A_109 : memref<!tpu.dma_semaphore, #tpu.memory_space<semaphore_mem>>)
      %dma_wait3A_118 = arith.constant 0 : i32
      %dma_wait3A_119 = tpu.memref_slice %arg7[%run_scoped3A_97, %dma_wait3A_118] : memref<16x640xf32, #tpu.memory_space<vmem>> -> memref<1x640xf32, #tpu.memory_space<vmem>>
      %dma_wait3A_120 = tpu.memref_squeeze %dma_wait3A_119 : memref<1x640xf32, #tpu.memory_space<vmem>> -> memref<640xf32, #tpu.memory_space<vmem>>
      %dma_wait3A_121 = tpu.memref_slice %arg9[%add3A_96] : memref<163840xf32, #tpu.memory_space<vmem_shared>> -> memref<640xf32, #tpu.memory_space<vmem_shared>>
      %dma_wait3A_122 = arith.constant 0 : i32
      %dma_wait3A_123 = tpu.memref_slice %arg7[%run_scoped3A_97, %dma_wait3A_122] : memref<16x640xf32, #tpu.memory_space<vmem>> -> memref<1x640xf32, #tpu.memory_space<vmem>>
      %dma_wait3A_124 = tpu.memref_squeeze %dma_wait3A_123 : memref<1x640xf32, #tpu.memory_space<vmem>> -> memref<640xf32, #tpu.memory_space<vmem>>
      %dma_wait3A_125 = tpu.memref_slice %arg9[%add3A_96] : memref<163840xf32, #tpu.memory_space<vmem_shared>> -> memref<640xf32, #tpu.memory_space<vmem_shared>>
      tpu.wait_dma2 semaphore(%run_scoped3A_109 : memref<!tpu.dma_semaphore, #tpu.memory_space<semaphore_mem>>) src(%dma_wait3A_125 : memref<640xf32, #tpu.memory_space<vmem_shared>>) dst(%dma_wait3A_124 : memref<640xf32, #tpu.memory_space<vmem>>)
      tpu.yield
    }) : () -> ()
    %scan3A_98 = arith.constant 0 : i32
    %scan3A_99 = arith.constant 0 : i32
    %scan3A_100 = arith.constant 40 : i32
    %scan3A_101 = arith.addi %scan3A_99, %scan3A_100 : i32
    %scan3A_102 = arith.constant 1 : i32
    scf.for %scan3A_109 = %scan3A_99 to %scan3A_101 step %scan3A_102  : i32 {
      %mul3A_110 = arith.constant 16 : i32
      %mul3A_111 = arith.muli %scan3A_109, %mul3A_110 : i32
      %get3A = arith.constant 0 : i32
      %get3A_112 = arith.index_cast %get3A : i32 to index
      %get3A_113 = arith.index_cast %mul3A_111 : i32 to index
      %get3A_114 = tpu.vector_load %arg7[%get3A_112, %get3A_113] {strides = array<i32>} : memref<16x640xf32, #tpu.memory_space<vmem>>, vector<16xf32>,
      %get3A_115 = arith.constant 1 : i32
      %get3A_116 = arith.index_cast %get3A_115 : i32 to index
      %get3A_117 = arith.index_cast %mul3A_111 : i32 to index
      %get3A_118 = tpu.vector_load %arg7[%get3A_116, %get3A_117] {strides = array<i32>} : memref<16x640xf32, #tpu.memory_space<vmem>>, vector<16xf32>,
      %add3A_119 = arith.addf %get3A_114, %get3A_118 : vector<16xf32>
      %get3A_120 = arith.constant 2 : i32
      %get3A_121 = arith.index_cast %get3A_120 : i32 to index
      %get3A_122 = arith.index_cast %mul3A_111 : i32 to index
      %get3A_123 = tpu.vector_load %arg7[%get3A_121, %get3A_122] {strides = array<i32>} : memref<16x640xf32, #tpu.memory_space<vmem>>, vector<16xf32>,
      %add3A_124 = arith.addf %add3A_119, %get3A_123 : vector<16xf32>
      %get3A_125 = arith.constant 3 : i32
      %get3A_126 = arith.index_cast %get3A_125 : i32 to index
      %get3A_127 = arith.index_cast %mul3A_111 : i32 to index
      %get3A_128 = tpu.vector_load %arg7[%get3A_126, %get3A_127] {strides = array<i32>} : memref<16x640xf32, #tpu.memory_space<vmem>>, vector<16xf32>,
      %add3A_129 = arith.addf %add3A_124, %get3A_128 : vector<16xf32>
      %get3A_130 = arith.constant 4 : i32
      %get3A_131 = arith.index_cast %get3A_130 : i32 to index
      %get3A_132 = arith.index_cast %mul3A_111 : i32 to index
      %get3A_133 = tpu.vector_load %arg7[%get3A_131, %get3A_132] {strides = array<i32>} : memref<16x640xf32, #tpu.memory_space<vmem>>, vector<16xf32>,
      %add3A_134 = arith.addf %add3A_129, %get3A_133 : vector<16xf32>
      %get3A_135 = arith.constant 5 : i32
      %get3A_136 = arith.index_cast %get3A_135 : i32 to index
      %get3A_137 = arith.index_cast %mul3A_111 : i32 to index
      %get3A_138 = tpu.vector_load %arg7[%get3A_136, %get3A_137] {strides = array<i32>} : memref<16x640xf32, #tpu.memory_space<vmem>>, vector<16xf32>,
      %add3A_139 = arith.addf %add3A_134, %get3A_138 : vector<16xf32>
      %get3A_140 = arith.constant 6 : i32
      %get3A_141 = arith.index_cast %get3A_140 : i32 to index
      %get3A_142 = arith.index_cast %mul3A_111 : i32 to index
      %get3A_143 = tpu.vector_load %arg7[%get3A_141, %get3A_142] {strides = array<i32>} : memref<16x640xf32, #tpu.memory_space<vmem>>, vector<16xf32>,
      %add3A_144 = arith.addf %add3A_139, %get3A_143 : vector<16xf32>
      %get3A_145 = arith.constant 7 : i32
      %get3A_146 = arith.index_cast %get3A_145 : i32 to index
      %get3A_147 = arith.index_cast %mul3A_111 : i32 to index
      %get3A_148 = tpu.vector_load %arg7[%get3A_146, %get3A_147] {strides = array<i32>} : memref<16x640xf32, #tpu.memory_space<vmem>>, vector<16xf32>,
      %add3A_149 = arith.addf %add3A_144, %get3A_148 : vector<16xf32>
      %get3A_150 = arith.constant 8 : i32
      %get3A_151 = arith.index_cast %get3A_150 : i32 to index
      %get3A_152 = arith.index_cast %mul3A_111 : i32 to index
      %get3A_153 = tpu.vector_load %arg7[%get3A_151, %get3A_152] {strides = array<i32>} : memref<16x640xf32, #tpu.memory_space<vmem>>, vector<16xf32>,
      %add3A_154 = arith.addf %add3A_149, %get3A_153 : vector<16xf32>
      %get3A_155 = arith.constant 9 : i32
      %get3A_156 = arith.index_cast %get3A_155 : i32 to index
      %get3A_157 = arith.index_cast %mul3A_111 : i32 to index
      %get3A_158 = tpu.vector_load %arg7[%get3A_156, %get3A_157] {strides = array<i32>} : memref<16x640xf32, #tpu.memory_space<vmem>>, vector<16xf32>,
      %add3A_159 = arith.addf %add3A_154, %get3A_158 : vector<16xf32>
      %get3A_160 = arith.constant 10 : i32
      %get3A_161 = arith.index_cast %get3A_160 : i32 to index
      %get3A_162 = arith.index_cast %mul3A_111 : i32 to index
      %get3A_163 = tpu.vector_load %arg7[%get3A_161, %get3A_162] {strides = array<i32>} : memref<16x640xf32, #tpu.memory_space<vmem>>, vector<16xf32>,
      %add3A_164 = arith.addf %add3A_159, %get3A_163 : vector<16xf32>
      %get3A_165 = arith.constant 11 : i32
      %get3A_166 = arith.index_cast %get3A_165 : i32 to index
      %get3A_167 = arith.index_cast %mul3A_111 : i32 to index
      %get3A_168 = tpu.vector_load %arg7[%get3A_166, %get3A_167] {strides = array<i32>} : memref<16x640xf32, #tpu.memory_space<vmem>>, vector<16xf32>,
      %add3A_169 = arith.addf %add3A_164, %get3A_168 : vector<16xf32>
      %get3A_170 = arith.constant 12 : i32
      %get3A_171 = arith.index_cast %get3A_170 : i32 to index
      %get3A_172 = arith.index_cast %mul3A_111 : i32 to index
      %get3A_173 = tpu.vector_load %arg7[%get3A_171, %get3A_172] {strides = array<i32>} : memref<16x640xf32, #tpu.memory_space<vmem>>, vector<16xf32>,
      %add3A_174 = arith.addf %add3A_169, %get3A_173 : vector<16xf32>
      %get3A_175 = arith.constant 13 : i32
      %get3A_176 = arith.index_cast %get3A_175 : i32 to index
      %get3A_177 = arith.index_cast %mul3A_111 : i32 to index
      %get3A_178 = tpu.vector_load %arg7[%get3A_176, %get3A_177] {strides = array<i32>} : memref<16x640xf32, #tpu.memory_space<vmem>>, vector<16xf32>,
      %add3A_179 = arith.addf %add3A_174, %get3A_178 : vector<16xf32>
      %get3A_180 = arith.constant 14 : i32
      %get3A_181 = arith.index_cast %get3A_180 : i32 to index
      %get3A_182 = arith.index_cast %mul3A_111 : i32 to index
      %get3A_183 = tpu.vector_load %arg7[%get3A_181, %get3A_182] {strides = array<i32>} : memref<16x640xf32, #tpu.memory_space<vmem>>, vector<16xf32>,
      %add3A_184 = arith.addf %add3A_179, %get3A_183 : vector<16xf32>
      %get3A_185 = arith.constant 15 : i32
      %get3A_186 = arith.index_cast %get3A_185 : i32 to index
      %get3A_187 = arith.index_cast %mul3A_111 : i32 to index
      %get3A_188 = tpu.vector_load %arg7[%get3A_186, %get3A_187] {strides = array<i32>} : memref<16x640xf32, #tpu.memory_space<vmem>>, vector<16xf32>,
      %add3A_189 = arith.addf %add3A_184, %get3A_188 : vector<16xf32>
      %swap3A = arith.index_cast %mul3A_111 : i32 to index
      %swap3A_190 = tpu.vector_load %arg8[%swap3A] {strides = array<i32>} : memref<640xf32, #tpu.memory_space<vmem>>, vector<16xf32>,
      tpu.vector_store %arg8[%swap3A], %add3A_189 {strides = array<i32>} : memref<640xf32, #tpu.memory_space<vmem>>, vector<16xf32>,
    }
    %scan3A_103 = arith.constant 40 : i32
    %mul3A_104 = arith.constant 10240 : i32
    %mul3A_105 = arith.muli %arg0, %mul3A_104 : i32
    %mul3A_106 = arith.constant 640 : i32
    %mul3A_107 = arith.muli %arg1, %mul3A_106 : i32
    %add3A_108 = arith.addi %mul3A_105, %mul3A_107 : i32
    "tpu.region"() ({
      %run_scoped3A_109 = tpu.sem_alloc : memref<!tpu.dma_semaphore, #tpu.memory_space<semaphore_mem>>
      %dma_start3A_110 = tpu.memref_slice %arg4[%add3A_108] : memref<20480xf32, #tpu.memory_space<hbm>> -> memref<640xf32, #tpu.memory_space<hbm>>
      %dma_start3A_111 = tpu.memref_slice %arg4[%add3A_108] : memref<20480xf32, #tpu.memory_space<hbm>> -> memref<640xf32, #tpu.memory_space<hbm>>
      tpu.enqueue_dma source(%arg8 : memref<640xf32, #tpu.memory_space<vmem>>) target(%dma_start3A_111 : memref<640xf32, #tpu.memory_space<hbm>>) target_semaphore(%run_scoped3A_109 : memref<!tpu.dma_semaphore, #tpu.memory_space<semaphore_mem>>)
      %dma_wait3A_112 = tpu.memref_slice %arg4[%add3A_108] : memref<20480xf32, #tpu.memory_space<hbm>> -> memref<640xf32, #tpu.memory_space<hbm>>
      %dma_wait3A_113 = tpu.memref_slice %arg4[%add3A_108] : memref<20480xf32, #tpu.memory_space<hbm>> -> memref<640xf32, #tpu.memory_space<hbm>>
      tpu.wait_dma2 semaphore(%run_scoped3A_109 : memref<!tpu.dma_semaphore, #tpu.memory_space<semaphore_mem>>) src(%arg8 : memref<640xf32, #tpu.memory_space<vmem>>) dst(%dma_wait3A_113 : memref<640xf32, #tpu.memory_space<hbm>>)
      tpu.yield
    }) : () -> ()
    return
  }
}

#map = affine_map<(d0, d1) -> (0, 0)>
#map1 = affine_map<(d0, d1) -> (0)>
module attributes {stable_mosaic.version = 14 : i64} {
  func.func @gather(%arg0: i32, %arg1: i32, %arg2: memref<2x10240xf32, #tpu.memory_space<hbm>>, %arg3: memref<10240xi32, #tpu.memory_space<hbm>>, %arg4: memref<32x20000xi32, #tpu.memory_space<hbm>>, %arg5: memref<32x20000xi32, #tpu.memory_space<hbm>>, %arg6: memref<32x20000xf32, #tpu.memory_space<hbm>>, %arg7: memref<32x20000xf32, #tpu.memory_space<hbm>>, %arg8: memref<10240xf32, #tpu.memory_space<vmem>>, %arg9: memref<10240xf32, #tpu.memory_space<vmem>>, %arg10: memref<10240xi32, #tpu.memory_space<vmem>>, %arg11: memref<20000xi32, #tpu.memory_space<vmem>>, %arg12: memref<20000xi32, #tpu.memory_space<vmem>>, %arg13: memref<20000xf32, #tpu.memory_space<vmem>>, %arg14: memref<20000xf32, #tpu.memory_space<vmem>>, %arg15: memref<!tpu.dma_semaphore, #tpu.memory_space<semaphore_mem>>, %arg16: memref<!tpu.dma_semaphore, #tpu.memory_space<semaphore_mem>>) attributes {dimension_semantics = [#tpu.dimension_semantics<core_parallel>, #tpu.dimension_semantics<subcore_parallel>], iteration_bounds = array<i64: 2, 16>, scalar_prefetch = 0 : i64, scratch_operands = 9 : i64, tpu.core_type = #tpu.core_type<sc_vector_subcore>, window_params = [{transform_indices = #map}, {transform_indices = #map1}, {transform_indices = #map}, {transform_indices = #map}, {transform_indices = #map}, {transform_indices = #map}]} {
    %mul3A = arith.constant 16 : i32
    %mul3A_0 = arith.muli %arg0, %mul3A : i32
    %add3A = arith.addi %mul3A_0, %arg1 : i32
    %dma_start3A = arith.constant 0 : i32
    %dma_start3A_1 = arith.constant 0 : i32
    %dma_start3A_2 = tpu.memref_slice %arg2[%dma_start3A, %dma_start3A_1] : memref<2x10240xf32, #tpu.memory_space<hbm>> -> memref<1x10240xf32, #tpu.memory_space<hbm>>
    %dma_start3A_3 = tpu.memref_squeeze %dma_start3A_2 : memref<1x10240xf32, #tpu.memory_space<hbm>> -> memref<10240xf32, #tpu.memory_space<hbm>>
    %dma_start3A_4 = arith.constant 0 : i32
    %dma_start3A_5 = tpu.memref_slice %arg2[%dma_start3A, %dma_start3A_4] : memref<2x10240xf32, #tpu.memory_space<hbm>> -> memref<1x10240xf32, #tpu.memory_space<hbm>>
    %dma_start3A_6 = tpu.memref_squeeze %dma_start3A_5 : memref<1x10240xf32, #tpu.memory_space<hbm>> -> memref<10240xf32, #tpu.memory_space<hbm>>
    tpu.enqueue_dma source(%dma_start3A_6 : memref<10240xf32, #tpu.memory_space<hbm>>) target(%arg8 : memref<10240xf32, #tpu.memory_space<vmem>>) target_semaphore(%arg15 : memref<!tpu.dma_semaphore, #tpu.memory_space<semaphore_mem>>)
    %dma_start3A_7 = arith.constant 1 : i32
    %dma_start3A_8 = arith.constant 0 : i32
    %dma_start3A_9 = tpu.memref_slice %arg2[%dma_start3A_7, %dma_start3A_8] : memref<2x10240xf32, #tpu.memory_space<hbm>> -> memref<1x10240xf32, #tpu.memory_space<hbm>>
    %dma_start3A_10 = tpu.memref_squeeze %dma_start3A_9 : memref<1x10240xf32, #tpu.memory_space<hbm>> -> memref<10240xf32, #tpu.memory_space<hbm>>
    %dma_start3A_11 = arith.constant 0 : i32
    %dma_start3A_12 = tpu.memref_slice %arg2[%dma_start3A_7, %dma_start3A_11] : memref<2x10240xf32, #tpu.memory_space<hbm>> -> memref<1x10240xf32, #tpu.memory_space<hbm>>
    %dma_start3A_13 = tpu.memref_squeeze %dma_start3A_12 : memref<1x10240xf32, #tpu.memory_space<hbm>> -> memref<10240xf32, #tpu.memory_space<hbm>>
    tpu.enqueue_dma source(%dma_start3A_13 : memref<10240xf32, #tpu.memory_space<hbm>>) target(%arg9 : memref<10240xf32, #tpu.memory_space<vmem>>) target_semaphore(%arg15 : memref<!tpu.dma_semaphore, #tpu.memory_space<semaphore_mem>>)
    tpu.enqueue_dma source(%arg3 : memref<10240xi32, #tpu.memory_space<hbm>>) target(%arg10 : memref<10240xi32, #tpu.memory_space<vmem>>) target_semaphore(%arg16 : memref<!tpu.dma_semaphore, #tpu.memory_space<semaphore_mem>>)
    %dma_start3A_14 = arith.constant 0 : i32
    %dma_start3A_15 = tpu.memref_slice %arg4[%add3A, %dma_start3A_14] : memref<32x20000xi32, #tpu.memory_space<hbm>> -> memref<1x20000xi32, #tpu.memory_space<hbm>>
    %dma_start3A_16 = tpu.memref_squeeze %dma_start3A_15 : memref<1x20000xi32, #tpu.memory_space<hbm>> -> memref<20000xi32, #tpu.memory_space<hbm>>
    %dma_start3A_17 = arith.constant 0 : i32
    %dma_start3A_18 = tpu.memref_slice %arg4[%add3A, %dma_start3A_17] : memref<32x20000xi32, #tpu.memory_space<hbm>> -> memref<1x20000xi32, #tpu.memory_space<hbm>>
    %dma_start3A_19 = tpu.memref_squeeze %dma_start3A_18 : memref<1x20000xi32, #tpu.memory_space<hbm>> -> memref<20000xi32, #tpu.memory_space<hbm>>
    tpu.enqueue_dma source(%dma_start3A_19 : memref<20000xi32, #tpu.memory_space<hbm>>) target(%arg11 : memref<20000xi32, #tpu.memory_space<vmem>>) target_semaphore(%arg16 : memref<!tpu.dma_semaphore, #tpu.memory_space<semaphore_mem>>)
    %dma_start3A_20 = arith.constant 0 : i32
    %dma_start3A_21 = tpu.memref_slice %arg5[%add3A, %dma_start3A_20] : memref<32x20000xi32, #tpu.memory_space<hbm>> -> memref<1x20000xi32, #tpu.memory_space<hbm>>
    %dma_start3A_22 = tpu.memref_squeeze %dma_start3A_21 : memref<1x20000xi32, #tpu.memory_space<hbm>> -> memref<20000xi32, #tpu.memory_space<hbm>>
    %dma_start3A_23 = arith.constant 0 : i32
    %dma_start3A_24 = tpu.memref_slice %arg5[%add3A, %dma_start3A_23] : memref<32x20000xi32, #tpu.memory_space<hbm>> -> memref<1x20000xi32, #tpu.memory_space<hbm>>
    %dma_start3A_25 = tpu.memref_squeeze %dma_start3A_24 : memref<1x20000xi32, #tpu.memory_space<hbm>> -> memref<20000xi32, #tpu.memory_space<hbm>>
    tpu.enqueue_dma source(%dma_start3A_25 : memref<20000xi32, #tpu.memory_space<hbm>>) target(%arg12 : memref<20000xi32, #tpu.memory_space<vmem>>) target_semaphore(%arg16 : memref<!tpu.dma_semaphore, #tpu.memory_space<semaphore_mem>>)
    %dma_wait3A = arith.constant 0 : i32
    %dma_wait3A_26 = arith.constant 0 : i32
    %dma_wait3A_27 = tpu.memref_slice %arg2[%dma_wait3A, %dma_wait3A_26] : memref<2x10240xf32, #tpu.memory_space<hbm>> -> memref<1x10240xf32, #tpu.memory_space<hbm>>
    %dma_wait3A_28 = tpu.memref_squeeze %dma_wait3A_27 : memref<1x10240xf32, #tpu.memory_space<hbm>> -> memref<10240xf32, #tpu.memory_space<hbm>>
    %dma_wait3A_29 = arith.constant 0 : i32
    %dma_wait3A_30 = tpu.memref_slice %arg2[%dma_wait3A, %dma_wait3A_29] : memref<2x10240xf32, #tpu.memory_space<hbm>> -> memref<1x10240xf32, #tpu.memory_space<hbm>>
    %dma_wait3A_31 = tpu.memref_squeeze %dma_wait3A_30 : memref<1x10240xf32, #tpu.memory_space<hbm>> -> memref<10240xf32, #tpu.memory_space<hbm>>
    tpu.wait_dma2 semaphore(%arg15 : memref<!tpu.dma_semaphore, #tpu.memory_space<semaphore_mem>>) src(%dma_wait3A_31 : memref<10240xf32, #tpu.memory_space<hbm>>) dst(%arg8 : memref<10240xf32, #tpu.memory_space<vmem>>)
    %dma_wait3A_32 = arith.constant 1 : i32
    %dma_wait3A_33 = arith.constant 0 : i32
    %dma_wait3A_34 = tpu.memref_slice %arg2[%dma_wait3A_32, %dma_wait3A_33] : memref<2x10240xf32, #tpu.memory_space<hbm>> -> memref<1x10240xf32, #tpu.memory_space<hbm>>
    %dma_wait3A_35 = tpu.memref_squeeze %dma_wait3A_34 : memref<1x10240xf32, #tpu.memory_space<hbm>> -> memref<10240xf32, #tpu.memory_space<hbm>>
    %dma_wait3A_36 = arith.constant 0 : i32
    %dma_wait3A_37 = tpu.memref_slice %arg2[%dma_wait3A_32, %dma_wait3A_36] : memref<2x10240xf32, #tpu.memory_space<hbm>> -> memref<1x10240xf32, #tpu.memory_space<hbm>>
    %dma_wait3A_38 = tpu.memref_squeeze %dma_wait3A_37 : memref<1x10240xf32, #tpu.memory_space<hbm>> -> memref<10240xf32, #tpu.memory_space<hbm>>
    tpu.wait_dma2 semaphore(%arg15 : memref<!tpu.dma_semaphore, #tpu.memory_space<semaphore_mem>>) src(%dma_wait3A_38 : memref<10240xf32, #tpu.memory_space<hbm>>) dst(%arg9 : memref<10240xf32, #tpu.memory_space<vmem>>)
    %scan3A = arith.constant 0 : i32
    %scan3A_39 = arith.constant 0 : i32
    %scan3A_40 = arith.constant 640 : i32
    %scan3A_41 = arith.addi %scan3A_39, %scan3A_40 : i32
    %scan3A_42 = arith.constant 1 : i32
    scf.for %scan3A_62 = %scan3A_39 to %scan3A_41 step %scan3A_42  : i32 {
      %mul3A_63 = arith.constant 16 : i32
      %mul3A_64 = arith.muli %scan3A_62, %mul3A_63 : i32
      %get3A = arith.index_cast %mul3A_64 : i32 to index
      %get3A_65 = tpu.vector_load %arg8[%get3A] {strides = array<i32>} : memref<10240xf32, #tpu.memory_space<vmem>>, vector<16xf32>,
      %get3A_66 = arith.index_cast %mul3A_64 : i32 to index
      %get3A_67 = tpu.vector_load %arg9[%get3A_66] {strides = array<i32>} : memref<10240xf32, #tpu.memory_space<vmem>>, vector<16xf32>,
      %add3A_68 = arith.addf %get3A_65, %get3A_67 : vector<16xf32>
      %swap3A = arith.index_cast %mul3A_64 : i32 to index
      %swap3A_69 = tpu.vector_load %arg8[%swap3A] {strides = array<i32>} : memref<10240xf32, #tpu.memory_space<vmem>>, vector<16xf32>,
      tpu.vector_store %arg8[%swap3A], %add3A_68 {strides = array<i32>} : memref<10240xf32, #tpu.memory_space<vmem>>, vector<16xf32>,
    }
    %scan3A_43 = arith.constant 640 : i32
    tpu.wait_dma2 semaphore(%arg16 : memref<!tpu.dma_semaphore, #tpu.memory_space<semaphore_mem>>) src(%arg3 : memref<10240xi32, #tpu.memory_space<hbm>>) dst(%arg10 : memref<10240xi32, #tpu.memory_space<vmem>>)
    %dma_wait3A_44 = arith.constant 0 : i32
    %dma_wait3A_45 = tpu.memref_slice %arg4[%add3A, %dma_wait3A_44] : memref<32x20000xi32, #tpu.memory_space<hbm>> -> memref<1x20000xi32, #tpu.memory_space<hbm>>
    %dma_wait3A_46 = tpu.memref_squeeze %dma_wait3A_45 : memref<1x20000xi32, #tpu.memory_space<hbm>> -> memref<20000xi32, #tpu.memory_space<hbm>>
    %dma_wait3A_47 = arith.constant 0 : i32
    %dma_wait3A_48 = tpu.memref_slice %arg4[%add3A, %dma_wait3A_47] : memref<32x20000xi32, #tpu.memory_space<hbm>> -> memref<1x20000xi32, #tpu.memory_space<hbm>>
    %dma_wait3A_49 = tpu.memref_squeeze %dma_wait3A_48 : memref<1x20000xi32, #tpu.memory_space<hbm>> -> memref<20000xi32, #tpu.memory_space<hbm>>
    tpu.wait_dma2 semaphore(%arg16 : memref<!tpu.dma_semaphore, #tpu.memory_space<semaphore_mem>>) src(%dma_wait3A_49 : memref<20000xi32, #tpu.memory_space<hbm>>) dst(%arg11 : memref<20000xi32, #tpu.memory_space<vmem>>)
    %dma_wait3A_50 = arith.constant 0 : i32
    %dma_wait3A_51 = tpu.memref_slice %arg5[%add3A, %dma_wait3A_50] : memref<32x20000xi32, #tpu.memory_space<hbm>> -> memref<1x20000xi32, #tpu.memory_space<hbm>>
    %dma_wait3A_52 = tpu.memref_squeeze %dma_wait3A_51 : memref<1x20000xi32, #tpu.memory_space<hbm>> -> memref<20000xi32, #tpu.memory_space<hbm>>
    %dma_wait3A_53 = arith.constant 0 : i32
    %dma_wait3A_54 = tpu.memref_slice %arg5[%add3A, %dma_wait3A_53] : memref<32x20000xi32, #tpu.memory_space<hbm>> -> memref<1x20000xi32, #tpu.memory_space<hbm>>
    %dma_wait3A_55 = tpu.memref_squeeze %dma_wait3A_54 : memref<1x20000xi32, #tpu.memory_space<hbm>> -> memref<20000xi32, #tpu.memory_space<hbm>>
    tpu.wait_dma2 semaphore(%arg16 : memref<!tpu.dma_semaphore, #tpu.memory_space<semaphore_mem>>) src(%dma_wait3A_55 : memref<20000xi32, #tpu.memory_space<hbm>>) dst(%arg12 : memref<20000xi32, #tpu.memory_space<vmem>>)
    %scan3A_56 = arith.constant 0 : i32
    %scan3A_57 = arith.constant 0 : i32
    %scan3A_58 = arith.constant 250 : i32
    %scan3A_59 = arith.addi %scan3A_57, %scan3A_58 : i32
    %scan3A_60 = arith.constant 1 : i32
    scf.for %scan3A_62 = %scan3A_57 to %scan3A_59 step %scan3A_60  : i32 {
      %mul3A_63 = arith.constant 80 : i32
      %mul3A_64 = arith.muli %scan3A_62, %mul3A_63 : i32
      %add3A_65 = arith.constant 0 : i32
      %add3A_66 = arith.addi %mul3A_64, %add3A_65 : i32
      %get3A = arith.index_cast %add3A_66 : i32 to index
      %get3A_67 = tpu.vector_load %arg11[%get3A] {strides = array<i32>} : memref<20000xi32, #tpu.memory_space<vmem>>, vector<16xi32>,
      %gather3A = tpu.vector_load_idx %arg8[%get3A_67] : memref<10240xf32, #tpu.memory_space<vmem>>[vector<16xi32>], vector<16xf32>,
      %max3A = arith.constant 1.000000e+00 : f32
      %max3A_68 = vector.broadcast %max3A : f32 to vector<16xf32>
      %max3A_69 = arith.maximumf %gather3A, %max3A_68 : vector<16xf32>
      %div3A = arith.constant 1.000000e+00 : f32
      %div3A_70 = vector.broadcast %div3A : f32 to vector<16xf32>
      %div3A_71 = arith.divf %div3A_70, %max3A_69 : vector<16xf32>
      %swap3A = arith.index_cast %add3A_66 : i32 to index
      %swap3A_72 = tpu.vector_load %arg13[%swap3A] {strides = array<i32>} : memref<20000xf32, #tpu.memory_space<vmem>>, vector<16xf32>,
      tpu.vector_store %arg13[%swap3A], %div3A_71 {strides = array<i32>} : memref<20000xf32, #tpu.memory_space<vmem>>, vector<16xf32>,
      %get3A_73 = arith.index_cast %add3A_66 : i32 to index
      %get3A_74 = tpu.vector_load %arg12[%get3A_73] {strides = array<i32>} : memref<20000xi32, #tpu.memory_space<vmem>>, vector<16xi32>,
      %gather3A_75 = tpu.vector_load_idx %arg10[%get3A_74] : memref<10240xi32, #tpu.memory_space<vmem>>[vector<16xi32>], vector<16xi32>,
      %convert_element_type3A = arith.sitofp %gather3A_75 : vector<16xi32> to vector<16xf32>
      %swap3A_76 = arith.index_cast %add3A_66 : i32 to index
      %swap3A_77 = tpu.vector_load %arg14[%swap3A_76] {strides = array<i32>} : memref<20000xf32, #tpu.memory_space<vmem>>, vector<16xf32>,
      tpu.vector_store %arg14[%swap3A_76], %convert_element_type3A {strides = array<i32>} : memref<20000xf32, #tpu.memory_space<vmem>>, vector<16xf32>,
      %mul3A_78 = arith.constant 80 : i32
      %mul3A_79 = arith.muli %scan3A_62, %mul3A_78 : i32
      %add3A_80 = arith.constant 16 : i32
      %add3A_81 = arith.addi %mul3A_79, %add3A_80 : i32
      %get3A_82 = arith.index_cast %add3A_81 : i32 to index
      %get3A_83 = tpu.vector_load %arg11[%get3A_82] {strides = array<i32>} : memref<20000xi32, #tpu.memory_space<vmem>>, vector<16xi32>,
      %gather3A_84 = tpu.vector_load_idx %arg8[%get3A_83] : memref<10240xf32, #tpu.memory_space<vmem>>[vector<16xi32>], vector<16xf32>,
      %max3A_85 = arith.constant 1.000000e+00 : f32
      %max3A_86 = vector.broadcast %max3A_85 : f32 to vector<16xf32>
      %max3A_87 = arith.maximumf %gather3A_84, %max3A_86 : vector<16xf32>
      %div3A_88 = arith.constant 1.000000e+00 : f32
      %div3A_89 = vector.broadcast %div3A_88 : f32 to vector<16xf32>
      %div3A_90 = arith.divf %div3A_89, %max3A_87 : vector<16xf32>
      %swap3A_91 = arith.index_cast %add3A_81 : i32 to index
      %swap3A_92 = tpu.vector_load %arg13[%swap3A_91] {strides = array<i32>} : memref<20000xf32, #tpu.memory_space<vmem>>, vector<16xf32>,
      tpu.vector_store %arg13[%swap3A_91], %div3A_90 {strides = array<i32>} : memref<20000xf32, #tpu.memory_space<vmem>>, vector<16xf32>,
      %get3A_93 = arith.index_cast %add3A_81 : i32 to index
      %get3A_94 = tpu.vector_load %arg12[%get3A_93] {strides = array<i32>} : memref<20000xi32, #tpu.memory_space<vmem>>, vector<16xi32>,
      %gather3A_95 = tpu.vector_load_idx %arg10[%get3A_94] : memref<10240xi32, #tpu.memory_space<vmem>>[vector<16xi32>], vector<16xi32>,
      %convert_element_type3A_96 = arith.sitofp %gather3A_95 : vector<16xi32> to vector<16xf32>
      %swap3A_97 = arith.index_cast %add3A_81 : i32 to index
      %swap3A_98 = tpu.vector_load %arg14[%swap3A_97] {strides = array<i32>} : memref<20000xf32, #tpu.memory_space<vmem>>, vector<16xf32>,
      tpu.vector_store %arg14[%swap3A_97], %convert_element_type3A_96 {strides = array<i32>} : memref<20000xf32, #tpu.memory_space<vmem>>, vector<16xf32>,
      %mul3A_99 = arith.constant 80 : i32
      %mul3A_100 = arith.muli %scan3A_62, %mul3A_99 : i32
      %add3A_101 = arith.constant 32 : i32
      %add3A_102 = arith.addi %mul3A_100, %add3A_101 : i32
      %get3A_103 = arith.index_cast %add3A_102 : i32 to index
      %get3A_104 = tpu.vector_load %arg11[%get3A_103] {strides = array<i32>} : memref<20000xi32, #tpu.memory_space<vmem>>, vector<16xi32>,
      %gather3A_105 = tpu.vector_load_idx %arg8[%get3A_104] : memref<10240xf32, #tpu.memory_space<vmem>>[vector<16xi32>], vector<16xf32>,
      %max3A_106 = arith.constant 1.000000e+00 : f32
      %max3A_107 = vector.broadcast %max3A_106 : f32 to vector<16xf32>
      %max3A_108 = arith.maximumf %gather3A_105, %max3A_107 : vector<16xf32>
      %div3A_109 = arith.constant 1.000000e+00 : f32
      %div3A_110 = vector.broadcast %div3A_109 : f32 to vector<16xf32>
      %div3A_111 = arith.divf %div3A_110, %max3A_108 : vector<16xf32>
      %swap3A_112 = arith.index_cast %add3A_102 : i32 to index
      %swap3A_113 = tpu.vector_load %arg13[%swap3A_112] {strides = array<i32>} : memref<20000xf32, #tpu.memory_space<vmem>>, vector<16xf32>,
      tpu.vector_store %arg13[%swap3A_112], %div3A_111 {strides = array<i32>} : memref<20000xf32, #tpu.memory_space<vmem>>, vector<16xf32>,
      %get3A_114 = arith.index_cast %add3A_102 : i32 to index
      %get3A_115 = tpu.vector_load %arg12[%get3A_114] {strides = array<i32>} : memref<20000xi32, #tpu.memory_space<vmem>>, vector<16xi32>,
      %gather3A_116 = tpu.vector_load_idx %arg10[%get3A_115] : memref<10240xi32, #tpu.memory_space<vmem>>[vector<16xi32>], vector<16xi32>,
      %convert_element_type3A_117 = arith.sitofp %gather3A_116 : vector<16xi32> to vector<16xf32>
      %swap3A_118 = arith.index_cast %add3A_102 : i32 to index
      %swap3A_119 = tpu.vector_load %arg14[%swap3A_118] {strides = array<i32>} : memref<20000xf32, #tpu.memory_space<vmem>>, vector<16xf32>,
      tpu.vector_store %arg14[%swap3A_118], %convert_element_type3A_117 {strides = array<i32>} : memref<20000xf32, #tpu.memory_space<vmem>>, vector<16xf32>,
      %mul3A_120 = arith.constant 80 : i32
      %mul3A_121 = arith.muli %scan3A_62, %mul3A_120 : i32
      %add3A_122 = arith.constant 48 : i32
      %add3A_123 = arith.addi %mul3A_121, %add3A_122 : i32
      %get3A_124 = arith.index_cast %add3A_123 : i32 to index
      %get3A_125 = tpu.vector_load %arg11[%get3A_124] {strides = array<i32>} : memref<20000xi32, #tpu.memory_space<vmem>>, vector<16xi32>,
      %gather3A_126 = tpu.vector_load_idx %arg8[%get3A_125] : memref<10240xf32, #tpu.memory_space<vmem>>[vector<16xi32>], vector<16xf32>,
      %max3A_127 = arith.constant 1.000000e+00 : f32
      %max3A_128 = vector.broadcast %max3A_127 : f32 to vector<16xf32>
      %max3A_129 = arith.maximumf %gather3A_126, %max3A_128 : vector<16xf32>
      %div3A_130 = arith.constant 1.000000e+00 : f32
      %div3A_131 = vector.broadcast %div3A_130 : f32 to vector<16xf32>
      %div3A_132 = arith.divf %div3A_131, %max3A_129 : vector<16xf32>
      %swap3A_133 = arith.index_cast %add3A_123 : i32 to index
      %swap3A_134 = tpu.vector_load %arg13[%swap3A_133] {strides = array<i32>} : memref<20000xf32, #tpu.memory_space<vmem>>, vector<16xf32>,
      tpu.vector_store %arg13[%swap3A_133], %div3A_132 {strides = array<i32>} : memref<20000xf32, #tpu.memory_space<vmem>>, vector<16xf32>,
      %get3A_135 = arith.index_cast %add3A_123 : i32 to index
      %get3A_136 = tpu.vector_load %arg12[%get3A_135] {strides = array<i32>} : memref<20000xi32, #tpu.memory_space<vmem>>, vector<16xi32>,
      %gather3A_137 = tpu.vector_load_idx %arg10[%get3A_136] : memref<10240xi32, #tpu.memory_space<vmem>>[vector<16xi32>], vector<16xi32>,
      %convert_element_type3A_138 = arith.sitofp %gather3A_137 : vector<16xi32> to vector<16xf32>
      %swap3A_139 = arith.index_cast %add3A_123 : i32 to index
      %swap3A_140 = tpu.vector_load %arg14[%swap3A_139] {strides = array<i32>} : memref<20000xf32, #tpu.memory_space<vmem>>, vector<16xf32>,
      tpu.vector_store %arg14[%swap3A_139], %convert_element_type3A_138 {strides = array<i32>} : memref<20000xf32, #tpu.memory_space<vmem>>, vector<16xf32>,
      %mul3A_141 = arith.constant 80 : i32
      %mul3A_142 = arith.muli %scan3A_62, %mul3A_141 : i32
      %add3A_143 = arith.constant 64 : i32
      %add3A_144 = arith.addi %mul3A_142, %add3A_143 : i32
      %get3A_145 = arith.index_cast %add3A_144 : i32 to index
      %get3A_146 = tpu.vector_load %arg11[%get3A_145] {strides = array<i32>} : memref<20000xi32, #tpu.memory_space<vmem>>, vector<16xi32>,
      %gather3A_147 = tpu.vector_load_idx %arg8[%get3A_146] : memref<10240xf32, #tpu.memory_space<vmem>>[vector<16xi32>], vector<16xf32>,
      %max3A_148 = arith.constant 1.000000e+00 : f32
      %max3A_149 = vector.broadcast %max3A_148 : f32 to vector<16xf32>
      %max3A_150 = arith.maximumf %gather3A_147, %max3A_149 : vector<16xf32>
      %div3A_151 = arith.constant 1.000000e+00 : f32
      %div3A_152 = vector.broadcast %div3A_151 : f32 to vector<16xf32>
      %div3A_153 = arith.divf %div3A_152, %max3A_150 : vector<16xf32>
      %swap3A_154 = arith.index_cast %add3A_144 : i32 to index
      %swap3A_155 = tpu.vector_load %arg13[%swap3A_154] {strides = array<i32>} : memref<20000xf32, #tpu.memory_space<vmem>>, vector<16xf32>,
      tpu.vector_store %arg13[%swap3A_154], %div3A_153 {strides = array<i32>} : memref<20000xf32, #tpu.memory_space<vmem>>, vector<16xf32>,
      %get3A_156 = arith.index_cast %add3A_144 : i32 to index
      %get3A_157 = tpu.vector_load %arg12[%get3A_156] {strides = array<i32>} : memref<20000xi32, #tpu.memory_space<vmem>>, vector<16xi32>,
      %gather3A_158 = tpu.vector_load_idx %arg10[%get3A_157] : memref<10240xi32, #tpu.memory_space<vmem>>[vector<16xi32>], vector<16xi32>,
      %convert_element_type3A_159 = arith.sitofp %gather3A_158 : vector<16xi32> to vector<16xf32>
      %swap3A_160 = arith.index_cast %add3A_144 : i32 to index
      %swap3A_161 = tpu.vector_load %arg14[%swap3A_160] {strides = array<i32>} : memref<20000xf32, #tpu.memory_space<vmem>>, vector<16xf32>,
      tpu.vector_store %arg14[%swap3A_160], %convert_element_type3A_159 {strides = array<i32>} : memref<20000xf32, #tpu.memory_space<vmem>>, vector<16xf32>,
    }
    %scan3A_61 = arith.constant 250 : i32
    "tpu.region"() ({
      %run_scoped3A = tpu.sem_alloc : memref<!tpu.dma_semaphore, #tpu.memory_space<semaphore_mem>>
      %dma_start3A_62 = arith.constant 0 : i32
      %dma_start3A_63 = tpu.memref_slice %arg6[%add3A, %dma_start3A_62] : memref<32x20000xf32, #tpu.memory_space<hbm>> -> memref<1x20000xf32, #tpu.memory_space<hbm>>
      %dma_start3A_64 = tpu.memref_squeeze %dma_start3A_63 : memref<1x20000xf32, #tpu.memory_space<hbm>> -> memref<20000xf32, #tpu.memory_space<hbm>>
      %dma_start3A_65 = arith.constant 0 : i32
      %dma_start3A_66 = tpu.memref_slice %arg6[%add3A, %dma_start3A_65] : memref<32x20000xf32, #tpu.memory_space<hbm>> -> memref<1x20000xf32, #tpu.memory_space<hbm>>
      %dma_start3A_67 = tpu.memref_squeeze %dma_start3A_66 : memref<1x20000xf32, #tpu.memory_space<hbm>> -> memref<20000xf32, #tpu.memory_space<hbm>>
      tpu.enqueue_dma source(%arg13 : memref<20000xf32, #tpu.memory_space<vmem>>) target(%dma_start3A_67 : memref<20000xf32, #tpu.memory_space<hbm>>) target_semaphore(%run_scoped3A : memref<!tpu.dma_semaphore, #tpu.memory_space<semaphore_mem>>)
      %dma_wait3A_68 = arith.constant 0 : i32
      %dma_wait3A_69 = tpu.memref_slice %arg6[%add3A, %dma_wait3A_68] : memref<32x20000xf32, #tpu.memory_space<hbm>> -> memref<1x20000xf32, #tpu.memory_space<hbm>>
      %dma_wait3A_70 = tpu.memref_squeeze %dma_wait3A_69 : memref<1x20000xf32, #tpu.memory_space<hbm>> -> memref<20000xf32, #tpu.memory_space<hbm>>
      %dma_wait3A_71 = arith.constant 0 : i32
      %dma_wait3A_72 = tpu.memref_slice %arg6[%add3A, %dma_wait3A_71] : memref<32x20000xf32, #tpu.memory_space<hbm>> -> memref<1x20000xf32, #tpu.memory_space<hbm>>
      %dma_wait3A_73 = tpu.memref_squeeze %dma_wait3A_72 : memref<1x20000xf32, #tpu.memory_space<hbm>> -> memref<20000xf32, #tpu.memory_space<hbm>>
      tpu.wait_dma2 semaphore(%run_scoped3A : memref<!tpu.dma_semaphore, #tpu.memory_space<semaphore_mem>>) src(%arg13 : memref<20000xf32, #tpu.memory_space<vmem>>) dst(%dma_wait3A_73 : memref<20000xf32, #tpu.memory_space<hbm>>)
      tpu.yield
    }) : () -> ()
    "tpu.region"() ({
      %run_scoped3A = tpu.sem_alloc : memref<!tpu.dma_semaphore, #tpu.memory_space<semaphore_mem>>
      %dma_start3A_62 = arith.constant 0 : i32
      %dma_start3A_63 = tpu.memref_slice %arg7[%add3A, %dma_start3A_62] : memref<32x20000xf32, #tpu.memory_space<hbm>> -> memref<1x20000xf32, #tpu.memory_space<hbm>>
      %dma_start3A_64 = tpu.memref_squeeze %dma_start3A_63 : memref<1x20000xf32, #tpu.memory_space<hbm>> -> memref<20000xf32, #tpu.memory_space<hbm>>
      %dma_start3A_65 = arith.constant 0 : i32
      %dma_start3A_66 = tpu.memref_slice %arg7[%add3A, %dma_start3A_65] : memref<32x20000xf32, #tpu.memory_space<hbm>> -> memref<1x20000xf32, #tpu.memory_space<hbm>>
      %dma_start3A_67 = tpu.memref_squeeze %dma_start3A_66 : memref<1x20000xf32, #tpu.memory_space<hbm>> -> memref<20000xf32, #tpu.memory_space<hbm>>
      tpu.enqueue_dma source(%arg14 : memref<20000xf32, #tpu.memory_space<vmem>>) target(%dma_start3A_67 : memref<20000xf32, #tpu.memory_space<hbm>>) target_semaphore(%run_scoped3A : memref<!tpu.dma_semaphore, #tpu.memory_space<semaphore_mem>>)
      %dma_wait3A_68 = arith.constant 0 : i32
      %dma_wait3A_69 = tpu.memref_slice %arg7[%add3A, %dma_wait3A_68] : memref<32x20000xf32, #tpu.memory_space<hbm>> -> memref<1x20000xf32, #tpu.memory_space<hbm>>
      %dma_wait3A_70 = tpu.memref_squeeze %dma_wait3A_69 : memref<1x20000xf32, #tpu.memory_space<hbm>> -> memref<20000xf32, #tpu.memory_space<hbm>>
      %dma_wait3A_71 = arith.constant 0 : i32
      %dma_wait3A_72 = tpu.memref_slice %arg7[%add3A, %dma_wait3A_71] : memref<32x20000xf32, #tpu.memory_space<hbm>> -> memref<1x20000xf32, #tpu.memory_space<hbm>>
      %dma_wait3A_73 = tpu.memref_squeeze %dma_wait3A_72 : memref<1x20000xf32, #tpu.memory_space<hbm>> -> memref<20000xf32, #tpu.memory_space<hbm>>
      tpu.wait_dma2 semaphore(%run_scoped3A : memref<!tpu.dma_semaphore, #tpu.memory_space<semaphore_mem>>) src(%arg14 : memref<20000xf32, #tpu.memory_space<vmem>>) dst(%dma_wait3A_73 : memref<20000xf32, #tpu.memory_space<hbm>>)
      tpu.yield
    }) : () -> ()
    return
  }
}

module attributes {stable_mosaic.version = 14 : i64} {
  func.func @_tc_body(%arg0: i32, %arg1: memref<3x25600xf32, #tpu.memory_space<vmem>>, %arg2: memref<1x25600xf32, #tpu.memory_space<vmem>>, %arg3: memref<1x25600xf32, #tpu.memory_space<vmem>>, %arg4: memref<32x1xf32, #tpu.memory_space<vmem>>, %arg5: memref<32x1xf32, #tpu.memory_space<vmem>>, %arg6: memref<32x1xf32, #tpu.memory_space<vmem>>, %arg7: memref<32x1xf32, #tpu.memory_space<vmem>>, %arg8: memref<16x32xf32, #tpu.memory_space<vmem>>, %arg9: memref<16x1xf32, #tpu.memory_space<vmem>>, %arg10: memref<16x16xf32, #tpu.memory_space<vmem>>, %arg11: memref<16x12xf32, #tpu.memory_space<vmem>>, %arg12: memref<32x16xf32, #tpu.memory_space<vmem>>, %arg13: memref<32x1xf32, #tpu.memory_space<vmem>>, %arg14: memref<32x1xf32, #tpu.memory_space<vmem>>, %arg15: memref<32x1xf32, #tpu.memory_space<vmem>>, %arg16: memref<1x32xf32, #tpu.memory_space<vmem>>, %arg17: memref<1x1xf32, #tpu.memory_space<vmem>>, %arg18: memref<1x1xf32, #tpu.memory_space<vmem>>, %arg19: memref<16x1xf32, #tpu.memory_space<vmem>>) attributes {dimension_semantics = [#tpu.dimension_semantics<arbitrary>], iteration_bounds = array<i64: 25>, scalar_prefetch = 0 : i64, scratch_operands = 1 : i64, tpu.core_type = #tpu.core_type<tc>, window_params = [{transform_indices = @transform_0, window_bounds = array<i64: 3, 25600>}, {transform_indices = @transform_1, window_bounds = array<i64: 1, 25600>}, {transform_indices = @transform_2, window_bounds = array<i64: 1, 25600>}, {pipeline_mode = #tpu.pipeline_mode<synchronous>, transform_indices = @transform_3, window_bounds = array<i64: 32, 1>}, {pipeline_mode = #tpu.pipeline_mode<synchronous>, transform_indices = @transform_4, window_bounds = array<i64: 32, 1>}, {pipeline_mode = #tpu.pipeline_mode<synchronous>, transform_indices = @transform_5, window_bounds = array<i64: 32, 1>}, {pipeline_mode = #tpu.pipeline_mode<synchronous>, transform_indices = @transform_6, window_bounds = array<i64: 32, 1>}, {pipeline_mode = #tpu.pipeline_mode<synchronous>, transform_indices = @transform_7, window_bounds = array<i64: 16, 32>}, {pipeline_mode = #tpu.pipeline_mode<synchronous>, transform_indices = @transform_8, window_bounds = array<i64: 16, 1>}, {pipeline_mode = #tpu.pipeline_mode<synchronous>, transform_indices = @transform_9, window_bounds = array<i64: 16, 16>}, {pipeline_mode = #tpu.pipeline_mode<synchronous>, transform_indices = @transform_10, window_bounds = array<i64: 16, 12>}, {pipeline_mode = #tpu.pipeline_mode<synchronous>, transform_indices = @transform_11, window_bounds = array<i64: 32, 16>}, {pipeline_mode = #tpu.pipeline_mode<synchronous>, transform_indices = @transform_12, window_bounds = array<i64: 32, 1>}, {pipeline_mode = #tpu.pipeline_mode<synchronous>, transform_indices = @transform_13, window_bounds = array<i64: 32, 1>}, {pipeline_mode = #tpu.pipeline_mode<synchronous>, transform_indices = @transform_14, window_bounds = array<i64: 32, 1>}, {pipeline_mode = #tpu.pipeline_mode<synchronous>, transform_indices = @transform_15, window_bounds = array<i64: 1, 32>}, {pipeline_mode = #tpu.pipeline_mode<synchronous>, transform_indices = @transform_16, window_bounds = array<i64: 1, 1>}, {pipeline_mode = #tpu.pipeline_mode<synchronous>, transform_indices = @transform_17, window_bounds = array<i64: 1, 1>}]} {
    %eq3A = arith.constant 0 : i32
    %eq3A_0 = arith.cmpi eq, %arg0, %eq3A : i32
    %convert_element_type3A = arith.extui %eq3A_0 : i1 to i32
    %cond3A = arith.constant 0 : i32
    %cond3A_1 = arith.cmpi ne, %convert_element_type3A, %cond3A : i32
    scf.if %cond3A_1 {
      %broadcast_in_dim3A_151 = arith.constant 0.000000e+00 : f32
      %broadcast_in_dim3A_152 = vector.broadcast %broadcast_in_dim3A_151 : f32 to vector<16x1xf32>
      %swap3A_153 = arith.constant 0 : index
      %swap3A_154 = arith.constant 0 : index
      %swap3A_155 = vector.load %arg19[%swap3A_153, %swap3A_154] : memref<16x1xf32, #tpu.memory_space<vmem>>, vector<16x1xf32>
      tpu.vector_store %arg19[%swap3A_153, %swap3A_154], %broadcast_in_dim3A_152 {strides = array<i32>} : memref<16x1xf32, #tpu.memory_space<vmem>>, vector<16x1xf32>,
    } else {
    }
    %get3A = arith.constant 0 : index
    %get3A_2 = arith.constant 0 : index
    %get3A_3 = vector.load %arg1[%get3A, %get3A_2] : memref<3x25600xf32, #tpu.memory_space<vmem>>, vector<3x25600xf32>
    %slice3A = vector.extract_strided_slice %get3A_3 {offsets = [0, 0], sizes = [1, 25600], strides = [1, 1]} : vector<3x25600xf32> to vector<1x25600xf32>
    %slice3A_4 = vector.extract_strided_slice %get3A_3 {offsets = [1, 0], sizes = [1, 25600], strides = [1, 1]} : vector<3x25600xf32> to vector<1x25600xf32>
    %slice3A_5 = vector.extract_strided_slice %get3A_3 {offsets = [2, 0], sizes = [1, 25600], strides = [1, 1]} : vector<3x25600xf32> to vector<1x25600xf32>
    %mul3A = arith.mulf %slice3A, %slice3A : vector<1x25600xf32>
    %mul3A_6 = arith.mulf %slice3A_4, %slice3A_4 : vector<1x25600xf32>
    %add3A = arith.addf %mul3A, %mul3A_6 : vector<1x25600xf32>
    %mul3A_7 = arith.mulf %slice3A_5, %slice3A_5 : vector<1x25600xf32>
    %add3A_8 = arith.addf %add3A, %mul3A_7 : vector<1x25600xf32>
    %sqrt3A = math.sqrt %add3A_8 : vector<1x25600xf32>
    %get3A_9 = arith.constant 0 : index
    %get3A_10 = arith.constant 0 : index
    %get3A_11 = vector.load %arg4[%get3A_9, %get3A_10] : memref<32x1xf32, #tpu.memory_space<vmem>>, vector<32x1xf32>
    %get3A_12 = arith.constant 0 : index
    %get3A_13 = arith.constant 0 : index
    %get3A_14 = vector.load %arg5[%get3A_12, %get3A_13] : memref<32x1xf32, #tpu.memory_space<vmem>>, vector<32x1xf32>
    %reduce_sum3A = arith.constant dense<0.000000e+00> : vector<1xf32>
    %reduce_sum3A_15 = vector.multi_reduction <add>, %get3A_11, %reduce_sum3A [0] : vector<32x1xf32> to vector<1xf32>
    %broadcast_in_dim3A = vector.shape_cast %reduce_sum3A_15 : vector<1xf32> to vector<1x1xf32>
    %div3A = arith.constant 3.200000e+01 : f32
    %div3A_16 = vector.broadcast %div3A : f32 to vector<1x1xf32>
    %div3A_17 = arith.divf %broadcast_in_dim3A, %div3A_16 : vector<1x1xf32>
    %reduce_sum3A_18 = arith.constant dense<0.000000e+00> : vector<1xf32>
    %reduce_sum3A_19 = vector.multi_reduction <add>, %get3A_14, %reduce_sum3A_18 [0] : vector<32x1xf32> to vector<1xf32>
    %broadcast_in_dim3A_20 = vector.shape_cast %reduce_sum3A_19 : vector<1xf32> to vector<1x1xf32>
    %div3A_21 = arith.constant 3.200000e+01 : f32
    %div3A_22 = vector.broadcast %div3A_21 : f32 to vector<1x1xf32>
    %div3A_23 = arith.divf %broadcast_in_dim3A_20, %div3A_22 : vector<1x1xf32>
    %sub3A = vector.broadcast %div3A_17 : vector<1x1xf32> to vector<32x1xf32>
    %sub3A_24 = arith.subf %get3A_11, %sub3A : vector<32x1xf32>
    %sub3A_25 = vector.broadcast %div3A_23 : vector<1x1xf32> to vector<32x1xf32>
    %sub3A_26 = arith.subf %get3A_14, %sub3A_25 : vector<32x1xf32>
    %mul3A_27 = arith.mulf %sub3A_24, %sub3A_24 : vector<32x1xf32>
    %reduce_sum3A_28 = arith.constant dense<0.000000e+00> : vector<1xf32>
    %reduce_sum3A_29 = vector.multi_reduction <add>, %mul3A_27, %reduce_sum3A_28 [0] : vector<32x1xf32> to vector<1xf32>
    %broadcast_in_dim3A_30 = vector.shape_cast %reduce_sum3A_29 : vector<1xf32> to vector<1x1xf32>
    %div3A_31 = arith.constant 3.200000e+01 : f32
    %div3A_32 = vector.broadcast %div3A_31 : f32 to vector<1x1xf32>
    %div3A_33 = arith.divf %broadcast_in_dim3A_30, %div3A_32 : vector<1x1xf32>
    %mul3A_34 = arith.mulf %sub3A_24, %sub3A_26 : vector<32x1xf32>
    %reduce_sum3A_35 = arith.constant dense<0.000000e+00> : vector<1xf32>
    %reduce_sum3A_36 = vector.multi_reduction <add>, %mul3A_34, %reduce_sum3A_35 [0] : vector<32x1xf32> to vector<1xf32>
    %broadcast_in_dim3A_37 = vector.shape_cast %reduce_sum3A_36 : vector<1xf32> to vector<1x1xf32>
    %div3A_38 = arith.constant 3.200000e+01 : f32
    %div3A_39 = vector.broadcast %div3A_38 : f32 to vector<1x1xf32>
    %div3A_40 = arith.divf %broadcast_in_dim3A_37, %div3A_39 : vector<1x1xf32>
    %mul3A_41 = arith.mulf %sub3A_26, %sub3A_26 : vector<32x1xf32>
    %reduce_sum3A_42 = arith.constant dense<0.000000e+00> : vector<1xf32>
    %reduce_sum3A_43 = vector.multi_reduction <add>, %mul3A_41, %reduce_sum3A_42 [0] : vector<32x1xf32> to vector<1xf32>
    %broadcast_in_dim3A_44 = vector.shape_cast %reduce_sum3A_43 : vector<1xf32> to vector<1x1xf32>
    %div3A_45 = arith.constant 3.200000e+01 : f32
    %div3A_46 = vector.broadcast %div3A_45 : f32 to vector<1x1xf32>
    %div3A_47 = arith.divf %broadcast_in_dim3A_44, %div3A_46 : vector<1x1xf32>
    %mul3A_48 = vector.broadcast %div3A_33 : vector<1x1xf32> to vector<1x25600xf32>
    %mul3A_49 = arith.mulf %mul3A_48, %add3A_8 : vector<1x25600xf32>
    %mul3A_50 = arith.constant 2.000000e+00 : f32
    %mul3A_51 = vector.broadcast %mul3A_50 : f32 to vector<1x1xf32>
    %mul3A_52 = arith.mulf %mul3A_51, %div3A_40 : vector<1x1xf32>
    %mul3A_53 = vector.broadcast %mul3A_52 : vector<1x1xf32> to vector<1x25600xf32>
    %mul3A_54 = arith.mulf %mul3A_53, %sqrt3A : vector<1x25600xf32>
    %add3A_55 = arith.addf %mul3A_49, %mul3A_54 : vector<1x25600xf32>
    %add3A_56 = vector.broadcast %div3A_47 : vector<1x1xf32> to vector<1x25600xf32>
    %add3A_57 = arith.addf %add3A_55, %add3A_56 : vector<1x25600xf32>
    %add3A_58 = arith.constant 9.99999974E-6 : f32
    %add3A_59 = vector.broadcast %add3A_58 : f32 to vector<1x25600xf32>
    %add3A_60 = arith.addf %add3A_57, %add3A_59 : vector<1x25600xf32>
    %rsqrt3A = math.rsqrt %add3A_60 : vector<1x25600xf32>
    %mul3A_61 = arith.mulf %sqrt3A, %rsqrt3A : vector<1x25600xf32>
    %get3A_62 = arith.constant 0 : index
    %get3A_63 = arith.constant 0 : index
    %get3A_64 = vector.load %arg6[%get3A_62, %get3A_63] : memref<32x1xf32, #tpu.memory_space<vmem>>, vector<32x1xf32>
    %mul3A_65 = arith.mulf %sub3A_24, %get3A_64 : vector<32x1xf32>
    %mul3A_66 = arith.mulf %sub3A_26, %get3A_64 : vector<32x1xf32>
    %mul3A_67 = vector.broadcast %mul3A_65 : vector<32x1xf32> to vector<32x25600xf32>
    %mul3A_68 = vector.broadcast %mul3A_61 : vector<1x25600xf32> to vector<32x25600xf32>
    %mul3A_69 = arith.mulf %mul3A_67, %mul3A_68 : vector<32x25600xf32>
    %mul3A_70 = vector.broadcast %mul3A_66 : vector<32x1xf32> to vector<32x25600xf32>
    %mul3A_71 = vector.broadcast %rsqrt3A : vector<1x25600xf32> to vector<32x25600xf32>
    %mul3A_72 = arith.mulf %mul3A_70, %mul3A_71 : vector<32x25600xf32>
    %add3A_73 = arith.addf %mul3A_69, %mul3A_72 : vector<32x25600xf32>
    %get3A_74 = arith.constant 0 : index
    %get3A_75 = arith.constant 0 : index
    %get3A_76 = vector.load %arg7[%get3A_74, %get3A_75] : memref<32x1xf32, #tpu.memory_space<vmem>>, vector<32x1xf32>
    %add3A_77 = vector.broadcast %get3A_76 : vector<32x1xf32> to vector<32x25600xf32>
    %add3A_78 = arith.addf %add3A_73, %add3A_77 : vector<32x25600xf32>
    %neg3A = arith.constant 0.000000e+00 : f32
    %neg3A_79 = vector.broadcast %neg3A : f32 to vector<32x25600xf32>
    %neg3A_80 = arith.subf %neg3A_79, %add3A_78 : vector<32x25600xf32>
    %exp3A = math.exp %neg3A_80 : vector<32x25600xf32>
    %add3A_81 = arith.constant 1.000000e+00 : f32
    %add3A_82 = vector.broadcast %add3A_81 : f32 to vector<32x25600xf32>
    %add3A_83 = arith.addf %add3A_82, %exp3A : vector<32x25600xf32>
    %div3A_84 = arith.constant 1.000000e+00 : f32
    %div3A_85 = vector.broadcast %div3A_84 : f32 to vector<32x25600xf32>
    %div3A_86 = arith.divf %div3A_85, %add3A_83 : vector<32x25600xf32>
    %mul3A_87 = arith.mulf %add3A_78, %div3A_86 : vector<32x25600xf32>
    %get3A_88 = arith.constant 0 : index
    %get3A_89 = arith.constant 0 : index
    %get3A_90 = vector.load %arg8[%get3A_88, %get3A_89] : memref<16x32xf32, #tpu.memory_space<vmem>>, vector<16x32xf32>
    %convert_element_type3A_91 = arith.truncf %get3A_90 : vector<16x32xf32> to vector<16x32xbf16>
    %convert_element_type3A_92 = arith.truncf %mul3A_87 : vector<32x25600xf32> to vector<32x25600xbf16>
    %dot_general3A = arith.constant dense<0.000000e+00> : vector<16x25600xf32>
    %dot_general3A_93 = tpu.matmul %convert_element_type3A_91, %convert_element_type3A_92, %dot_general3A {dimension_numbers = #tpu.dot_dimension_numbers<[1], [0], [0], [1], [0, 0, 1, 1], [], []>, transpose_lhs_hint = false} : vector<16x32xbf16>, vector<32x25600xbf16>, vector<16x25600xf32> -> vector<16x25600xf32>
    %get3A_94 = arith.constant 0 : index
    %get3A_95 = arith.constant 0 : index
    %get3A_96 = vector.load %arg9[%get3A_94, %get3A_95] : memref<16x1xf32, #tpu.memory_space<vmem>>, vector<16x1xf32>
    %add3A_97 = vector.broadcast %get3A_96 : vector<16x1xf32> to vector<16x25600xf32>
    %add3A_98 = arith.addf %dot_general3A_93, %add3A_97 : vector<16x25600xf32>
    %get3A_99 = arith.constant 0 : index
    %get3A_100 = arith.constant 0 : index
    %get3A_101 = vector.load %arg10[%get3A_99, %get3A_100] : memref<16x16xf32, #tpu.memory_space<vmem>>, vector<16x16xf32>
    %convert_element_type3A_102 = arith.truncf %get3A_101 : vector<16x16xf32> to vector<16x16xbf16>
    %get3A_103 = arith.constant 0 : index
    %get3A_104 = arith.constant 0 : index
    %get3A_105 = vector.load %arg11[%get3A_103, %get3A_104] : memref<16x12xf32, #tpu.memory_space<vmem>>, vector<16x12xf32>
    %convert_element_type3A_106 = arith.truncf %get3A_105 : vector<16x12xf32> to vector<16x12xbf16>
    %dot_general3A_107 = arith.constant dense<0.000000e+00> : vector<16x12xf32>
    %dot_general3A_108 = tpu.matmul %convert_element_type3A_102, %convert_element_type3A_106, %dot_general3A_107 {dimension_numbers = #tpu.dot_dimension_numbers<[1], [0], [0], [1], [0, 0, 1, 1], [], []>, transpose_lhs_hint = false} : vector<16x16xbf16>, vector<16x12xbf16>, vector<16x12xf32> -> vector<16x12xf32>
    %mul3A_109 = arith.constant 2.500000e-01 : f32
    %mul3A_110 = vector.broadcast %mul3A_109 : f32 to vector<16x12xf32>
    %mul3A_111 = arith.mulf %dot_general3A_108, %mul3A_110 : vector<16x12xf32>
    %convert_element_type3A_112 = arith.truncf %mul3A_111 : vector<16x12xf32> to vector<16x12xbf16>
    %convert_element_type3A_113 = arith.extf %convert_element_type3A_112 : vector<16x12xbf16> to vector<16x12xf32>
    %sub3A_114 = arith.subf %mul3A_111, %convert_element_type3A_113 : vector<16x12xf32>
    %convert_element_type3A_115 = arith.truncf %sub3A_114 : vector<16x12xf32> to vector<16x12xbf16>
    %get3A_116 = arith.constant 0 : index
    %get3A_117 = arith.constant 0 : index
    %get3A_118 = vector.load %arg3[%get3A_116, %get3A_117] : memref<1x25600xf32, #tpu.memory_space<vmem>>, vector<1x25600xf32>
    %iota3A = tpu.iota {dimensions = array<i32: 0>} : vector<12x25600xi32>
    %convert_element_type3A_119 = arith.sitofp %iota3A : vector<12x25600xi32> to vector<12x25600xf32>
    %eq3A_120 = vector.broadcast %get3A_118 : vector<1x25600xf32> to vector<12x25600xf32>
    %eq3A_121 = arith.cmpf oeq, %convert_element_type3A_119, %eq3A_120 : vector<12x25600xf32>
    %jit3A = arith.constant 1.000000e+00 : f32
    %jit3A_122 = arith.constant 0.000000e+00 : f32
    %broadcast_in_dim3A_123 = vector.broadcast %jit3A : f32 to vector<12x25600xf32>
    %broadcast_in_dim3A_124 = vector.broadcast %jit3A_122 : f32 to vector<12x25600xf32>
    %select_n3A = arith.select %eq3A_121, %broadcast_in_dim3A_123, %broadcast_in_dim3A_124 : vector<12x25600xi1>, vector<12x25600xf32>
    %convert_element_type3A_125 = arith.truncf %select_n3A : vector<12x25600xf32> to vector<12x25600xbf16>
    %dot_general3A_126 = arith.constant dense<0.000000e+00> : vector<16x25600xf32>
    %dot_general3A_127 = tpu.matmul %convert_element_type3A_112, %convert_element_type3A_125, %dot_general3A_126 {dimension_numbers = #tpu.dot_dimension_numbers<[1], [0], [0], [1], [0, 0, 1, 1], [], []>, transpose_lhs_hint = false} : vector<16x12xbf16>, vector<12x25600xbf16>, vector<16x25600xf32> -> vector<16x25600xf32>
    %dot_general3A_128 = arith.constant dense<0.000000e+00> : vector<16x25600xf32>
    %dot_general3A_129 = tpu.matmul %convert_element_type3A_115, %convert_element_type3A_125, %dot_general3A_128 {dimension_numbers = #tpu.dot_dimension_numbers<[1], [0], [0], [1], [0, 0, 1, 1], [], []>, transpose_lhs_hint = false} : vector<16x12xbf16>, vector<12x25600xbf16>, vector<16x25600xf32> -> vector<16x25600xf32>
    %add3A_130 = arith.addf %dot_general3A_127, %dot_general3A_129 : vector<16x25600xf32>
    %mul3A_131 = arith.mulf %add3A_98, %add3A_130 : vector<16x25600xf32>
    %get3A_132 = arith.constant 0 : index
    %get3A_133 = arith.constant 0 : index
    %get3A_134 = vector.load %arg2[%get3A_132, %get3A_133] : memref<1x25600xf32, #tpu.memory_space<vmem>>, vector<1x25600xf32>
    %mul3A_135 = vector.broadcast %get3A_134 : vector<1x25600xf32> to vector<16x25600xf32>
    %mul3A_136 = arith.mulf %mul3A_131, %mul3A_135 : vector<16x25600xf32>
    %get3A_137 = arith.constant 0 : index
    %get3A_138 = arith.constant 0 : index
    %get3A_139 = vector.load %arg19[%get3A_137, %get3A_138] : memref<16x1xf32, #tpu.memory_space<vmem>>, vector<16x1xf32>
    %reduce_sum3A_140 = arith.constant dense<0.000000e+00> : vector<16xf32>
    %reduce_sum3A_141 = vector.multi_reduction <add>, %mul3A_136, %reduce_sum3A_140 [1] : vector<16x25600xf32> to vector<16xf32>
    %broadcast_in_dim3A_142 = vector.shape_cast %reduce_sum3A_141 : vector<16xf32> to vector<16x1xf32>
    %add3A_143 = arith.addf %get3A_139, %broadcast_in_dim3A_142 : vector<16x1xf32>
    %swap3A = arith.constant 0 : index
    %swap3A_144 = arith.constant 0 : index
    %swap3A_145 = vector.load %arg19[%swap3A, %swap3A_144] : memref<16x1xf32, #tpu.memory_space<vmem>>, vector<16x1xf32>
    tpu.vector_store %arg19[%swap3A, %swap3A_144], %add3A_143 {strides = array<i32>} : memref<16x1xf32, #tpu.memory_space<vmem>>, vector<16x1xf32>,
    %eq3A_146 = arith.constant 24 : i32
    %eq3A_147 = arith.cmpi eq, %arg0, %eq3A_146 : i32
    %convert_element_type3A_148 = arith.extui %eq3A_147 : i1 to i32
    %cond3A_149 = arith.constant 0 : i32
    %cond3A_150 = arith.cmpi ne, %convert_element_type3A_148, %cond3A_149 : i32
    scf.if %cond3A_150 {
      %get3A_151 = arith.constant 0 : index
      %get3A_152 = arith.constant 0 : index
      %get3A_153 = vector.load %arg19[%get3A_151, %get3A_152] : memref<16x1xf32, #tpu.memory_space<vmem>>, vector<16x1xf32>
      %div3A_154 = arith.constant 1.000000e+04 : f32
      %div3A_155 = vector.broadcast %div3A_154 : f32 to vector<16x1xf32>
      %div3A_156 = arith.divf %get3A_153, %div3A_155 : vector<16x1xf32>
      %get3A_157 = arith.constant 0 : index
      %get3A_158 = arith.constant 0 : index
      %get3A_159 = vector.load %arg12[%get3A_157, %get3A_158] : memref<32x16xf32, #tpu.memory_space<vmem>>, vector<32x16xf32>
      %convert_element_type3A_160 = arith.truncf %get3A_159 : vector<32x16xf32> to vector<32x16xbf16>
      %convert_element_type3A_161 = arith.truncf %div3A_156 : vector<16x1xf32> to vector<16x1xbf16>
      %dot_general3A_162 = arith.constant dense<0.000000e+00> : vector<32x1xf32>
      %dot_general3A_163 = tpu.matmul %convert_element_type3A_160, %convert_element_type3A_161, %dot_general3A_162 {dimension_numbers = #tpu.dot_dimension_numbers<[1], [0], [0], [1], [0, 0, 1, 1], [], []>, transpose_lhs_hint = false} : vector<32x16xbf16>, vector<16x1xbf16>, vector<32x1xf32> -> vector<32x1xf32>
      %get3A_164 = arith.constant 0 : index
      %get3A_165 = arith.constant 0 : index
      %get3A_166 = vector.load %arg13[%get3A_164, %get3A_165] : memref<32x1xf32, #tpu.memory_space<vmem>>, vector<32x1xf32>
      %add3A_167 = arith.addf %dot_general3A_163, %get3A_166 : vector<32x1xf32>
      %reduce_sum3A_168 = arith.constant dense<0.000000e+00> : vector<1xf32>
      %reduce_sum3A_169 = vector.multi_reduction <add>, %add3A_167, %reduce_sum3A_168 [0] : vector<32x1xf32> to vector<1xf32>
      %broadcast_in_dim3A_170 = vector.shape_cast %reduce_sum3A_169 : vector<1xf32> to vector<1x1xf32>
      %div3A_171 = arith.constant 3.200000e+01 : f32
      %div3A_172 = vector.broadcast %div3A_171 : f32 to vector<1x1xf32>
      %div3A_173 = arith.divf %broadcast_in_dim3A_170, %div3A_172 : vector<1x1xf32>
      %sub3A_174 = vector.broadcast %div3A_173 : vector<1x1xf32> to vector<32x1xf32>
      %sub3A_175 = arith.subf %add3A_167, %sub3A_174 : vector<32x1xf32>
      %integer_pow3A = arith.mulf %sub3A_175, %sub3A_175 : vector<32x1xf32>
      %reduce_sum3A_176 = arith.constant dense<0.000000e+00> : vector<1xf32>
      %reduce_sum3A_177 = vector.multi_reduction <add>, %integer_pow3A, %reduce_sum3A_176 [0] : vector<32x1xf32> to vector<1xf32>
      %broadcast_in_dim3A_178 = vector.shape_cast %reduce_sum3A_177 : vector<1xf32> to vector<1x1xf32>
      %div3A_179 = arith.constant 3.200000e+01 : f32
      %div3A_180 = vector.broadcast %div3A_179 : f32 to vector<1x1xf32>
      %div3A_181 = arith.divf %broadcast_in_dim3A_178, %div3A_180 : vector<1x1xf32>
      %sub3A_182 = vector.broadcast %div3A_173 : vector<1x1xf32> to vector<32x1xf32>
      %sub3A_183 = arith.subf %add3A_167, %sub3A_182 : vector<32x1xf32>
      %add3A_184 = arith.constant 9.99999974E-6 : f32
      %add3A_185 = vector.broadcast %add3A_184 : f32 to vector<1x1xf32>
      %add3A_186 = arith.addf %div3A_181, %add3A_185 : vector<1x1xf32>
      %sqrt3A_187 = math.sqrt %add3A_186 : vector<1x1xf32>
      %div3A_188 = vector.broadcast %sqrt3A_187 : vector<1x1xf32> to vector<32x1xf32>
      %div3A_189 = arith.divf %sub3A_183, %div3A_188 : vector<32x1xf32>
      %get3A_190 = arith.constant 0 : index
      %get3A_191 = arith.constant 0 : index
      %get3A_192 = vector.load %arg14[%get3A_190, %get3A_191] : memref<32x1xf32, #tpu.memory_space<vmem>>, vector<32x1xf32>
      %mul3A_193 = arith.mulf %div3A_189, %get3A_192 : vector<32x1xf32>
      %get3A_194 = arith.constant 0 : index
      %get3A_195 = arith.constant 0 : index
      %get3A_196 = vector.load %arg15[%get3A_194, %get3A_195] : memref<32x1xf32, #tpu.memory_space<vmem>>, vector<32x1xf32>
      %add3A_197 = arith.addf %mul3A_193, %get3A_196 : vector<32x1xf32>
      %neg3A_198 = arith.constant 0.000000e+00 : f32
      %neg3A_199 = vector.broadcast %neg3A_198 : f32 to vector<32x1xf32>
      %neg3A_200 = arith.subf %neg3A_199, %add3A_197 : vector<32x1xf32>
      %exp3A_201 = math.exp %neg3A_200 : vector<32x1xf32>
      %add3A_202 = arith.constant 1.000000e+00 : f32
      %add3A_203 = vector.broadcast %add3A_202 : f32 to vector<32x1xf32>
      %add3A_204 = arith.addf %add3A_203, %exp3A_201 : vector<32x1xf32>
      %div3A_205 = arith.constant 1.000000e+00 : f32
      %div3A_206 = vector.broadcast %div3A_205 : f32 to vector<32x1xf32>
      %div3A_207 = arith.divf %div3A_206, %add3A_204 : vector<32x1xf32>
      %mul3A_208 = arith.mulf %add3A_197, %div3A_207 : vector<32x1xf32>
      %get3A_209 = arith.constant 0 : index
      %get3A_210 = arith.constant 0 : index
      %get3A_211 = vector.load %arg16[%get3A_209, %get3A_210] : memref<1x32xf32, #tpu.memory_space<vmem>>, vector<1x32xf32>
      %dot_general3A_212 = arith.constant dense<0.000000e+00> : vector<1x1xf32>
      %dot_general3A_213 = tpu.matmul %get3A_211, %mul3A_208, %dot_general3A_212 {dimension_numbers = #tpu.dot_dimension_numbers<[1], [0], [0], [1], [0, 0, 1, 1], [], []>, precision = #tpu.contract_precision<fp32>, transpose_lhs_hint = false} : vector<1x32xf32>, vector<32x1xf32>, vector<1x1xf32> -> vector<1x1xf32>
      %get3A_214 = arith.constant 0 : index
      %get3A_215 = arith.constant 0 : index
      %get3A_216 = vector.load %arg17[%get3A_214, %get3A_215] : memref<1x1xf32, #tpu.memory_space<vmem>>, vector<1x1xf32>
      %add3A_217 = arith.addf %dot_general3A_213, %get3A_216 : vector<1x1xf32>
      %swap3A_218 = arith.constant 0 : index
      %swap3A_219 = arith.constant 0 : index
      %swap3A_220 = vector.load %arg18[%swap3A_218, %swap3A_219] : memref<1x1xf32, #tpu.memory_space<vmem>>, vector<1x1xf32>
      tpu.vector_store %arg18[%swap3A_218, %swap3A_219], %add3A_217 {strides = array<i32>} : memref<1x1xf32, #tpu.memory_space<vmem>>, vector<1x1xf32>,
    } else {
    }
    return
  }
  func.func @transform_0(%arg0: i32) -> (i32, i32) {
    %c0_i32 = arith.constant 0 : i32
    %c0_i32_0 = arith.constant 0 : i32
    return %c0_i32, %arg0 : i32, i32
  }
  func.func @transform_1(%arg0: i32) -> (i32, i32) {
    %c0_i32 = arith.constant 0 : i32
    %c0_i32_0 = arith.constant 0 : i32
    return %c0_i32, %arg0 : i32, i32
  }
  func.func @transform_2(%arg0: i32) -> (i32, i32) {
    %c0_i32 = arith.constant 0 : i32
    %c0_i32_0 = arith.constant 0 : i32
    return %c0_i32, %arg0 : i32, i32
  }
  func.func @transform_3(%arg0: i32) -> (i32, i32) {
    %c0_i32 = arith.constant 0 : i32
    %c0_i32_0 = arith.constant 0 : i32
    %c0_i32_1 = arith.constant 0 : i32
    return %c0_i32, %c0_i32_0 : i32, i32
  }
  func.func @transform_4(%arg0: i32) -> (i32, i32) {
    %c0_i32 = arith.constant 0 : i32
    %c0_i32_0 = arith.constant 0 : i32
    %c0_i32_1 = arith.constant 0 : i32
    return %c0_i32, %c0_i32_0 : i32, i32
  }
  func.func @transform_5(%arg0: i32) -> (i32, i32) {
    %c0_i32 = arith.constant 0 : i32
    %c0_i32_0 = arith.constant 0 : i32
    %c0_i32_1 = arith.constant 0 : i32
    return %c0_i32, %c0_i32_0 : i32, i32
  }
  func.func @transform_6(%arg0: i32) -> (i32, i32) {
    %c0_i32 = arith.constant 0 : i32
    %c0_i32_0 = arith.constant 0 : i32
    %c0_i32_1 = arith.constant 0 : i32
    return %c0_i32, %c0_i32_0 : i32, i32
  }
  func.func @transform_7(%arg0: i32) -> (i32, i32) {
    %c0_i32 = arith.constant 0 : i32
    %c0_i32_0 = arith.constant 0 : i32
    %c0_i32_1 = arith.constant 0 : i32
    return %c0_i32, %c0_i32_0 : i32, i32
  }
  func.func @transform_8(%arg0: i32) -> (i32, i32) {
    %c0_i32 = arith.constant 0 : i32
    %c0_i32_0 = arith.constant 0 : i32
    %c0_i32_1 = arith.constant 0 : i32
    return %c0_i32, %c0_i32_0 : i32, i32
  }
  func.func @transform_9(%arg0: i32) -> (i32, i32) {
    %c0_i32 = arith.constant 0 : i32
    %c0_i32_0 = arith.constant 0 : i32
    %c0_i32_1 = arith.constant 0 : i32
    return %c0_i32, %c0_i32_0 : i32, i32
  }
  func.func @transform_10(%arg0: i32) -> (i32, i32) {
    %c0_i32 = arith.constant 0 : i32
    %c0_i32_0 = arith.constant 0 : i32
    %c0_i32_1 = arith.constant 0 : i32
    return %c0_i32, %c0_i32_0 : i32, i32
  }
  func.func @transform_11(%arg0: i32) -> (i32, i32) {
    %c0_i32 = arith.constant 0 : i32
    %c0_i32_0 = arith.constant 0 : i32
    %c0_i32_1 = arith.constant 0 : i32
    return %c0_i32, %c0_i32_0 : i32, i32
  }
  func.func @transform_12(%arg0: i32) -> (i32, i32) {
    %c0_i32 = arith.constant 0 : i32
    %c0_i32_0 = arith.constant 0 : i32
    %c0_i32_1 = arith.constant 0 : i32
    return %c0_i32, %c0_i32_0 : i32, i32
  }
  func.func @transform_13(%arg0: i32) -> (i32, i32) {
    %c0_i32 = arith.constant 0 : i32
    %c0_i32_0 = arith.constant 0 : i32
    %c0_i32_1 = arith.constant 0 : i32
    return %c0_i32, %c0_i32_0 : i32, i32
  }
  func.func @transform_14(%arg0: i32) -> (i32, i32) {
    %c0_i32 = arith.constant 0 : i32
    %c0_i32_0 = arith.constant 0 : i32
    %c0_i32_1 = arith.constant 0 : i32
    return %c0_i32, %c0_i32_0 : i32, i32
  }
  func.func @transform_15(%arg0: i32) -> (i32, i32) {
    %c0_i32 = arith.constant 0 : i32
    %c0_i32_0 = arith.constant 0 : i32
    %c0_i32_1 = arith.constant 0 : i32
    return %c0_i32, %c0_i32_0 : i32, i32
  }
  func.func @transform_16(%arg0: i32) -> (i32, i32) {
    %c0_i32 = arith.constant 0 : i32
    %c0_i32_0 = arith.constant 0 : i32
    %c0_i32_1 = arith.constant 0 : i32
    return %c0_i32, %c0_i32_0 : i32, i32
  }
  func.func @transform_17(%arg0: i32) -> (i32, i32) {
    %c0_i32 = arith.constant 0 : i32
    %c0_i32_0 = arith.constant 0 : i32
    %c0_i32_1 = arith.constant 0 : i32
    return %c0_i32, %c0_i32_0 : i32, i32
  }
}

</mosaic_0001>

<sc_bundles>
// kernel: kernel.5.cloned.1.call-start
scs
__scs_entry_jumppad:
0x0: {  	(pc) =	sbr.rel $0x88, $3  }
0x1: {  	(tag) =	ssettag $0x0;
	lr =	simm.s32 $0x1  }
0x2: {  	[smem:$0x3F90] =	sst lr;
	_ =	strace $0xD0000000  }
0x3: {  	_ = 	snop  }
0x4: {  	_ = 	snop  }
0x5: {  	_ = 	snop  }
0x6: {  	_ = 	snop  }
0x7: {  	_ = 	snop  }
__scs_overlays_trampoline_lowered:
0x8: {  	[smem:$0x3F9F] =	sst s0  }
0x9: {  	[smem:$0x3FA0] =	sst s1  }
0xa: {  	[smem:$0x3FA1] =	sst s2  }
0xb: {  	[smem:$0x3FA2] =	sst s3  }
0xc: {  	[smem:$0x3FA3] =	sst s4  }
0xd: {  	[smem:$0x3FA4] =	sst s5  }
0xe: {  	[smem:$0x3FA5] =	sst s6  }
0xf: {  	[smem:$0x3FA6] =	sst s7  }
0x10: {  	[smem:$0x3FA7] =	sst s8  }
0x11: {  	[smem:$0x3FA8] =	sst s9;
	s0 =	simm.s32 @!p0 $0x0  }
0x12: {  	s1 =	sld [smem:$0x3F8E];
	s0 =	simm.s32 @p0 $0x1  }
0x13: {  	[smem:$0x3FA9] =	sst s0;
	s0 =	simm.s32 @!p1 $0x0  }
0x14: {  	s2 =	sld [smem:$0x3F8D];
	s0 =	simm.s32 @p1 $0x1  }
0x15: {  	[smem:$0x3FAA] =	sst s0;
	s0 =	simm.s32 @!p2 $0x0  }
0x16: {  	s3 =	sld [smem:$0x3FDB];
	s0 =	simm.s32 @p2 $0x1  }
0x17: {  	s4 =	simm.s32 $0x1BF5;
	[smem:$0x3FAC] =	sst s0  }
0x18: {  	s0 =	sld [smem:$0x3F8F];
	_ =	swait.ge [sflag:s4], $0x0  }
0x19: {  	s7 =	sld [smem:$0x3F90]  }
0x1a: {  	s8 =	sadd.s32 $0xFFFFE003, lr  }
0x1b: {  	s9 =	sadd.s32 $0xFFFFFEF7, lr;
	s5 =	simm.s32 $0xFFFFFFFF;
	p2 =	slt.u32 s8, $0xFFFFF086  }
0x1c: {  	p1 =	slt.u32 s9, $0xF7A;
	s5 =	simm.s32 @!p2 $0x0  }
0x1d: {  	s5 =	simm.s32 @p1 $0x1;
	p0 =	seq.s32 s7, s2  }
0x1e: {  	s7 =	smul.u32 @!p0 $0xF7A, s2;
	p2 =	seq.s32 @!p0 s5, $0x0  }
0x1f: {  	s9 =	smul.u32 $0xF7A, s1;
	s8 =	simm.s32 @!p0 $0x1BF5;
	p2 =	por !p2, p0  }
0x20: {  	[sflag:s8] =	ssyncset.s32 @!p0 $0xFFFFF086;
	s6 =	sadd.s32 @!p0 s3, s7;
	s7 =	simm.s32 @!p0 $0x108  }
0x21: {  	s3 =	sadd.s32 s3, s9;
	s6 =	sadd.s32 @!p0 $0x88, s6;
	s7 =	simm.s32 @p2 $0x1082  }
0x22: {  	[simem:s7], [sflag:s8] =	dma.local @!p0 [hbm:s6], $0xF7A  }
0x23: {  	s9 =	sor.u32 $0xD0000000, s2;
	s6 =	simm.s32 $0x108;
	_ =	swait.ge @!p0 [sflag:s8], $0x0  }
0x24: {  	s3 =	sadd.s32 $0x88, s3;
	s6 =	simm.s32 @!p1 $0x1082;
	[sflag:s4] =	ssyncset.s32 $0xFFFFF086  }
0x25: {  	[simem:s6], [sflag:s4] =	dma.local [hbm:s3], $0xF7A  }
0x26: {  	[smem:$0x3F90] =	sst s1;
	(tag) =	ssettag s2;
	_ =	strace s9  }
0x27: {  	s1 =	sld [smem:$0x3FA0]  }
0x28: {  	s2 =	sld [smem:$0x3FA1]  }
0x29: {  	s4 =	sld [smem:$0x3FA3]  }
0x2a: {  	p0 =	seq.s32 s5, $0x0;
	s5 =	sld [smem:$0x3FA4]  }
0x2b: {  	s6 =	sld [smem:$0x3FA5]  }
0x2c: {  	s7 =	sld [smem:$0x3FA6]  }
0x2d: {  	s3 =	simm.s32 $0x108;
	s8 =	sld [smem:$0x3FA7]  }
0x2e: {  	s3 =	simm.s32 @!p0 $0x1082;
	s9 =	sld [smem:$0x3FA8]  }
0x2f: {  	lr =	sadd.s32 s0, s3;
	s0 =	sld [smem:$0x3F9F]  }
0x30: {  	s3 =	sld [smem:$0x3FA2]  }
0x31: {  	[smem:$0x3FAB] =	sst s10  }
0x32: {  	s10 =	sld [smem:$0x3FA9];
	_ =	sdelay $0x3  }
0x33: {  	p0 =	seq.s32 s10, $0x1;
	s10 =	sld [smem:$0x3FAB];
	_ =	sdelay $0x3  }
0x34: {  	[smem:$0x3FAB] =	sst s10  }
0x35: {  	s10 =	sld [smem:$0x3FAA];
	_ =	sdelay $0x3  }
0x36: {  	p1 =	seq.s32 s10, $0x1;
	s10 =	sld [smem:$0x3FAB];
	_ =	sdelay $0x3  }
0x37: {  	[smem:$0x3FAB] =	sst s10  }
0x38: {  	s10 =	sld [smem:$0x3FAC]  }
0x39: {  	_ = 	snop;
	(pc) =	sbr.ind lr, $3  }
0x3a: {  	_ = 	snop  }
0x3b: {  	_ = 	snop  }
0x3c: {  	p2 =	seq.s32 s10, $0x1;
	s10 =	sld [smem:$0x3FAB]  }
0x3d: {  	_ =	shalt  }
0x3e: {  	_ =	shalt  }
0x3f: {  	_ =	shalt  }
0x40: {  	_ =	shalt  }
0x41: {  	_ =	shalt  }
0x42: {  	_ =	shalt  }
0x43: {  	_ =	shalt  }
0x44: {  	_ =	shalt  }
0x45: {  	_ =	shalt  }
0x46: {  	_ =	shalt  }
0x47: {  	_ =	shalt  }
0x48: {  	_ =	shalt  }
0x49: {  	_ =	shalt  }
0x4a: {  	_ =	shalt  }
0x4b: {  	_ =	shalt  }
0x4c: {  	_ =	shalt  }
0x4d: {  	_ =	shalt  }
0x4e: {  	_ =	shalt  }
0x4f: {  	_ =	shalt  }
0x50: {  	_ =	shalt  }
0x51: {  	_ =	shalt  }
0x52: {  	_ =	shalt  }
0x53: {  	_ =	shalt  }
0x54: {  	_ =	shalt  }
0x55: {  	_ =	shalt  }
0x56: {  	_ =	shalt  }
0x57: {  	_ =	shalt  }
0x58: {  	_ =	shalt  }
0x59: {  	_ =	shalt  }
0x5a: {  	_ =	shalt  }
0x5b: {  	_ =	shalt  }
0x5c: {  	_ =	shalt  }
0x5d: {  	_ =	shalt  }
0x5e: {  	_ =	shalt  }
0x5f: {  	_ =	shalt  }
0x60: {  	_ =	shalt  }
0x61: {  	_ =	shalt  }
0x62: {  	_ =	shalt  }
0x63: {  	_ =	shalt  }
0x64: {  	_ =	shalt  }
0x65: {  	_ =	shalt  }
0x66: {  	_ =	shalt  }
0x67: {  	_ =	shalt  }
0x68: {  	_ =	shalt  }
0x69: {  	_ =	shalt  }
0x6a: {  	_ =	shalt  }
0x6b: {  	_ =	shalt  }
0x6c: {  	_ =	shalt  }
0x6d: {  	_ =	shalt  }
0x6e: {  	_ =	shalt  }
0x6f: {  	_ =	shalt  }
0x70: {  	_ =	shalt  }
0x71: {  	_ =	shalt  }
0x72: {  	_ =	shalt  }
0x73: {  	_ =	shalt  }
0x74: {  	_ =	shalt  }
0x75: {  	_ =	shalt  }
0x76: {  	_ =	shalt  }
0x77: {  	_ =	shalt  }
0x78: {  	_ =	shalt  }
0x79: {  	_ =	shalt  }
0x7a: {  	_ =	shalt  }
0x7b: {  	_ =	shalt  }
0x7c: {  	_ =	shalt  }
0x7d: {  	_ =	shalt  }
0x7e: {  	_ =	shalt  }
0x7f: {  	_ =	shalt  }
0x80: {  	_ =	shalt  }
0x81: {  	_ =	shalt  }
0x82: {  	_ =	shalt  }
0x83: {  	_ =	shalt  }
0x84: {  	_ =	shalt  }
0x85: {  	_ =	shalt  }
0x86: {  	_ =	shalt  }
0x87: {  	_ =	shalt  }
.Lfunc_end0:
.L_simem_size_0:
called_computation_lowered:
.L_overlay_start_0:
0x88: {  	s2 =	sld [smem:$0x3FD9]  }
0x89: {  	s3 =	sld [smem:$0x3FFE];
	_ =	sdelay $0x1  }
0x8a: {  	s1 =	srdreg.scid  }
0x8b: {  	s0 =	sand.u32 $0x1, s1  }
0x8c: {  	s16 =	sshll.u32 s0, $0xA;
	s2 =	sadd.s32 s3, s2  }
0x8d: {  	s2 =	sadd.s32 s2, s16  }
0x8e: {  	[smem:$0x3FB7] =	sst s2  }
0x8f: {  	_ = 	snop  }
0x90: {  	(tm) =	ssettm $0x1  }
0x91: {  	s17 =	sld [smem:$0x3FFB];
	_ =	sdelay $0x3  }
0x92: {  	_ =	strace s17  }
0x93: {  	s2 =	sld [smem:$0x3FFC];
	_ =	sdelay $0x3  }
0x94: {  	_ =	strace s2  }
0x95: {  	s2 =	sld [smem:$0x3FFD];
	_ =	sdelay $0x3  }
0x96: {  	_ =	strace s2  }
0x97: {  	_ =	strace $0x8FFFFFFF  }
0x98: {  	s18 =	sld [smem:$0x3FDB];
	_ =	sdelay $0x1  }
0x99: {  	s19 =	simm.s32 $_scs_section_size  }
0x9a: {  	s4 =	simm.s32 $_size__tile_overlayer_lowered;
	s5 =	simm.s32 $_tile_overlayer_lowered  }
0x9b: {  	s22 =	simm.s32 $0x1BFF;
	s21 =	sshll.u32 s5, $0x1;
	s2 =	sadd.s32 s19, s18  }
0x9c: {  	s6 =	simm.s32 $0x0;
	s20 =	sshll.u32 s4, $0x1;
	s4 =	sadd.s32 s21, s2  }
0x9d: {  	[timem:s6], [sflag:s22] =	dma.local [hbm:s4], s20  }
0x9e: {  	_ =	swait.ge [sflag:s22], s20  }
0x9f: {  	s3 =	ssub.s32 $0x0, s20;
	[sflag:s22] =	ssyncset.done $0x0  }
0xa0: {  	[sflag:s22] =	ssyncadd.s32 s3;
	_ =	sdelay $0x1  }
0xa1: {  	s23 =	simm.s32 $0x1B8B  }
0xa2: {  	_ =	swait.ge [sflag:s23], $0x1  }
0xa3: {  	[sflag:s23] =	ssyncset.done $0x0  }
0xa4: {  	s25 =	simm.s32 $0x1B8E;
	s24 =	sld [smem:$0x3FFE];
	[sflag:s23] =	ssyncadd.s32 $0xFFFFFFFF  }
0xa5: {  	s26 =	simm.s32 $execute0_lowered;
	[smem:$0x3FD2] =	sst s25  }
0xa6: {  	s4 =	sshll.u32 s26, $0x1;
	_ =	strace $0x80000046;
	[dreg:$0x1] =	wrdreg $0xFFFFFFFF  }
0xa7: {  	s28 =	simm.s32 $_size_execute0_lowered;
	s2 =	sadd.s32 s2, s4;
	[dreg:$0x0] =	wrdreg $0x0  }
0xa8: {  	s4 =	sshll.u32 s28, $0x1;
	[dreg:$0x2] =	wrdreg s2  }
0xa9: {  	[dreg:$0x3] =	wrdreg s4  }
0xaa: {  	[dreg:$0x4] =	wrdreg $0xC0  }
0xab: {  	_ =	task [dreg:s6], $0x5FFFF  }
0xac: {  	[dreg:$0x1] =	wrdreg $0xFFFFFFFF  }
0xad: {  	[dreg:$0x0] =	wrdreg $0x60  }
0xae: {  	[dreg:$0x2] =	wrdreg s24  }
0xaf: {  	[dreg:$0x3] =	wrdreg $0xA1000  }
0xb0: {  	[dreg:$0x4] =	wrdreg $0x9  }
0xb1: {  	_ =	task.clear_ibuf [dreg:s6], $0x5FFFF;
	_ =	strace $0x90000046  }
0xb2: {  	s29 =	simm.s32 $0x9;
	_ =	strace $0x80000048  }
0xb3: {  	_ =	swait.ge [sflag:s29], $0x1  }
0xb4: {  	[sflag:s29] =	ssyncadd.s32 $0xFFFFFFFF  }
0xb5: {  	_ =	strace $0x90000048  }
0xb6: {  	_ =	sfence  }
0xb7: {  	s30 =	sld [smem:$0x0];
	_ =	sdelay $0x2  }
0xb8: {  	s31 =	sshll.u32 s1, $0xD;
	s1 =	sshrl.u32 s1, $0x2  }
0xb9: {  	s3 =	sand.u32 $0x4000, s31;
	s1 =	sadd.s32 s1, s30  }
0xba: {  	s0 =	sor.u32 s3, s0;
	s1 =	sshll.u32 s1, $0x11  }
0xbb: {  	s0 =	sor.u32 s1, s0  }
0xbc: {  	s0 =	sadd.s32 $0x8F2B, s0  }
0xbd: {  	[sflag:s0] =	ssyncadd.remote.s32 $0x1  }
0xbe: {  	_ =	sfence.sel $0xFFFF  }
0xbf: {  	[dreg:$0x0] =	wrdreg $0xFFFFFFFF;
	(pc) =	sbr.abs _section_cstart, $3  }
0xc0: {  	[dreg:$0x1] =	wrdreg $0xFFFFFFFF  }
0xc1: {  	_ =	task.clear_ibuf [dreg:s6], $0x2FFFF;
	_ =	strace $0x9FFFFFFF  }
0xc2: {  	(tm) =	ssettm $0x7FFFFFFF  }
0xc3: {  	_ =	shalt  }
tec
execute0_lowered:
.L_overlay_start_1:
0x0: {  	(tag) =	ssettag $0x1  }
0x1: {  	s0 =	srdreg.scid;
	s3 =	rddreg [dreg:$0x0]  }
0x2: {  	s7 =	stileid.u32;
	s4 =	rddreg [dreg:$0x1];
	s0 =	sand.u32 $0x1, s0  }
0x3: {  	s2 =	sshll.u32 s7, $0x7;
	s9 =	smul.u32 $0x280, s7;
	s8 =	sadd.s32 $0x16800, s3  }
0x4: {  	s1 =	sshll.u32 s0, $0x4;
	s5 =	sand.u32 $0x380, s2;
	s2 =	simm.s32 $0x0  }
0x5: {  	s6 =	smul.u32 $0x2800, s0;
	s0 =	ssub.s32 $0x2, s0;
	s1 =	sor.u32 s7, s1  }
0x6: {  	[smem:$0x7FF] =	sst s2;
	s7 =	smul.u32 $0xA000, s7;
	s1 =	sshrl.u32 s1, $0x3  }
0x7: {  	s10 =	sshrl.u32 s0, $0x1;
	_ =	strace $0x80000047;
	s1 =	smul.u32 $0x27400, s1  }
0x8: {  	s6 =	sadd.s32 s9, s6;
	[dreg:$0x3] =	wrdreg s8;
	s0 =	ssub.s32 s0, s10  }
0x9: {  	s11 =	sshrl.u32 s7, $0x2;
	s0 =	smax.u32 s0, $0x1;
	s1 =	sor.u32 s5, s1  }
0xa: {  	s12 =	sadd.s32 s11, s4;
	[dreg:$0x16] =	wrdreg s0;
	s1 =	sshrl.u32 s1, $0x3  }
0xb: {  	s6 =	sshrl.u32 s6, $0x3;
	[dreg:$0x5] =	wrdreg s12;
	s1 =	sadd.s32 s1, s3  }
0xc: {  	s3 =	sadd.s32 s6, s3;
	s6 =	sadd.s32 s9, s4;
	s1 =	sadd.s32 $0x2E00, s1  }
0xd: {  	s13 =	sadd.s32 $0x2800, s6;
	[dreg:$0x4] =	wrdreg s1  }
0xe: {  	s14 =	sadd.s32 $0x5000, s6;
	[dreg:$0x6] =	wrdreg s13  }
0xf: {  	s15 =	sadd.s32 $0x7800, s6;
	[dreg:$0x7] =	wrdreg s14  }
0x10: {  	s16 =	sadd.s32 $0xA000, s6;
	[dreg:$0x8] =	wrdreg s15  }
0x11: {  	s17 =	sadd.s32 $0xC800, s6;
	[dreg:$0x9] =	wrdreg s16  }
0x12: {  	s18 =	sadd.s32 $0xF000, s6;
	[dreg:$0xa] =	wrdreg s17  }
0x13: {  	s19 =	sadd.s32 $0x11800, s6;
	[dreg:$0xb] =	wrdreg s18  }
0x14: {  	s20 =	sadd.s32 $0x14000, s6;
	[dreg:$0xc] =	wrdreg s19  }
0x15: {  	s21 =	sadd.s32 $0x16800, s6;
	[dreg:$0xd] =	wrdreg s20  }
0x16: {  	s22 =	sadd.s32 $0x19000, s6;
	[dreg:$0xe] =	wrdreg s21  }
0x17: {  	s23 =	sadd.s32 $0x1B800, s6;
	[dreg:$0xf] =	wrdreg s22  }
0x18: {  	s24 =	sadd.s32 $0x1E000, s6;
	[dreg:$0x10] =	wrdreg s23  }
0x19: {  	s25 =	sadd.s32 $0x20800, s6;
	[dreg:$0x11] =	wrdreg s24  }
0x1a: {  	s26 =	sadd.s32 $0x23000, s6;
	[dreg:$0x12] =	wrdreg s25  }
0x1b: {  	s4 =	sadd.s32 $0x25800, s6;
	[dreg:$0x13] =	wrdreg s26  }
0x1c: {  	s5 =	sadd.s32 $0x16E00, s3;
	[dreg:$0x14] =	wrdreg s4  }
0x1d: {  	s7 =	sadd.s32 $0x80, s6;
	[dreg:$0x15] =	wrdreg s5  }
0x1e: {  	s8 =	sadd.s32 $0x100, s6;
	[dreg:$0x17] =	wrdreg s7  }
0x1f: {  	s9 =	sadd.s32 $0x180, s6;
	[dreg:$0x18] =	wrdreg s8  }
0x20: {  	s10 =	sadd.s32 $0x200, s6;
	[dreg:$0x19] =	wrdreg s9  }
0x21: {  	s11 =	sadd.s32 $0x2880, s6;
	[dreg:$0x1a] =	wrdreg s10  }
0x22: {  	s12 =	sadd.s32 $0x2900, s6;
	[dreg:$0x1b] =	wrdreg s11  }
0x23: {  	s3 =	sadd.s32 $0xC900, s6;
	[dreg:$0x1c] =	wrdreg s12  }
0x24: {  	s13 =	sadd.s32 $0x2980, s6;
	[smem:$0x7E7] =	sst s3  }
0x25: {  	s14 =	sadd.s32 $0x2A00, s6;
	[dreg:$0x1d] =	wrdreg s13  }
0x26: {  	s15 =	sadd.s32 $0x5080, s6;
	[dreg:$0x1e] =	wrdreg s14  }
0x27: {  	s16 =	sadd.s32 $0x5100, s6;
	[dreg:$0x1f] =	wrdreg s15  }
0x28: {  	s17 =	sadd.s32 $0x5180, s6;
	[smem:$0x7DB] =	sst s16  }
0x29: {  	s18 =	sadd.s32 $0x5200, s6;
	[smem:$0x7DC] =	sst s17  }
0x2a: {  	s19 =	sadd.s32 $0x7880, s6;
	[smem:$0x7DD] =	sst s18  }
0x2b: {  	s20 =	sadd.s32 $0x7900, s6;
	[smem:$0x7DE] =	sst s19  }
0x2c: {  	s21 =	sadd.s32 $0x7980, s6;
	[smem:$0x7DF] =	sst s20  }
0x2d: {  	s22 =	sadd.s32 $0x7A00, s6;
	[smem:$0x7E0] =	sst s21  }
0x2e: {  	s23 =	sadd.s32 $0xA080, s6;
	[smem:$0x7E1] =	sst s22  }
0x2f: {  	s24 =	sadd.s32 $0xA100, s6;
	[smem:$0x7E2] =	sst s23  }
0x30: {  	s25 =	sadd.s32 $0xA180, s6;
	[smem:$0x7E3] =	sst s24  }
0x31: {  	s26 =	sadd.s32 $0xA200, s6;
	[smem:$0x7E4] =	sst s25  }
0x32: {  	s1 =	sadd.s32 $0xC880, s6;
	[smem:$0x7E5] =	sst s26  }
0x33: {  	s4 =	sadd.s32 $0xC980, s6;
	[smem:$0x7E6] =	sst s1  }
0x34: {  	s5 =	sadd.s32 $0xCA00, s6;
	[smem:$0x7E8] =	sst s4  }
0x35: {  	s7 =	sadd.s32 $0xF080, s6;
	[smem:$0x7E9] =	sst s5  }
0x36: {  	s8 =	sadd.s32 $0xF100, s6;
	[smem:$0x7EA] =	sst s7  }
0x37: {  	s9 =	sadd.s32 $0xF180, s6;
	[smem:$0x7EB] =	sst s8  }
0x38: {  	s10 =	sadd.s32 $0xF200, s6;
	[smem:$0x7EC] =	sst s9  }
0x39: {  	s11 =	sadd.s32 $0x11880, s6;
	[smem:$0x7ED] =	sst s10  }
0x3a: {  	s12 =	sadd.s32 $0x11900, s6;
	[smem:$0x7EE] =	sst s11  }
0x3b: {  	[smem:$0x7EF] =	sst s12;
	s13 =	sadd.s32 $0x11980, s6  }
0x3c: {  	s14 =	sadd.s32 $0x11A00, s6;
	[smem:$0x7F0] =	sst s13  }
0x3d: {  	s15 =	sadd.s32 $0x14080, s6;
	[smem:$0x7F1] =	sst s14  }
0x3e: {  	s16 =	sadd.s32 $0x14100, s6;
	[smem:$0x7F2] =	sst s15  }
0x3f: {  	s31 =	simm.s32 $0x4E80;
	s17 =	sadd.s32 $0x14180, s6;
	[smem:$0x7F3] =	sst s16  }
0x40: {  	s0 =	simm.s32 $0x2;
	s18 =	sadd.s32 $0x14200, s6;
	[smem:$0x7F4] =	sst s17  }
0x41: {  	s28 =	sadd.s32 $0x25900, s6;
	s19 =	sadd.s32 $0x16880, s6;
	[smem:$0x7F5] =	sst s18  }
0x42: {  	s29 =	sadd.s32 $0x25980, s6;
	s20 =	sadd.s32 $0x16900, s6;
	[smem:$0x7F6] =	sst s19  }
0x43: {  	s30 =	sadd.s32 $0x25A00, s6;
	s21 =	sadd.s32 $0x16980, s6;
	[smem:$0x7F7] =	sst s20  }
0x44: {  	s3 =	simm.s32 $0x0;
	s22 =	sadd.s32 $0x16A00, s6;
	[smem:$0x7F8] =	sst s21  }
0x45: {  	s23 =	sadd.s32 $0x19080, s6;
	s24 =	sadd.s32 $0x19100, s6;
	[smem:$0x7F9] =	sst s22  }
0x46: {  	s25 =	sadd.s32 $0x19180, s6;
	s26 =	sadd.s32 $0x19200, s6;
	[smem:$0x7FA] =	sst s23  }
0x47: {  	s10 =	sadd.s32 $0x1B880, s6;
	s11 =	sadd.s32 $0x1B900, s6;
	[smem:$0x7FB] =	sst s24  }
0x48: {  	s12 =	sadd.s32 $0x1B980, s6;
	s1 =	simm.s32 $0x1;
	[smem:$0x7FC] =	sst s25  }
0x49: {  	[smem:$0x7FD] =	sst s26;
	s13 =	sadd.s32 $0x1BA00, s6;
	s14 =	sadd.s32 $0x1E080, s6  }
0x4a: {  	s15 =	sadd.s32 $0x1E100, s6;
	s16 =	sadd.s32 $0x1E180, s6;
	s17 =	sadd.s32 $0x1E200, s6  }
0x4b: {  	s18 =	sadd.s32 $0x20880, s6;
	s19 =	sadd.s32 $0x20900, s6;
	s20 =	sadd.s32 $0x20980, s6  }
0x4c: {  	s21 =	sadd.s32 $0x20A00, s6;
	s22 =	sadd.s32 $0x23080, s6;
	s23 =	sadd.s32 $0x23100, s6  }
0x4d: {  	v0 =	vimm.f32 $1.000000000e+00;
	s24 =	sadd.s32 $0x23180, s6;
	s25 =	sadd.s32 $0x23200, s6;
	s26 =	sadd.s32 $0x25880, s6  }
.LBB2_1:
0x4e: {  	s4 =	rddreg [dreg:$0x3]  }
0x4f: {  	[tilespmem:s31], [sflag:$0x1] =	stream.linear.gather [hbm4b:s4+s2], $0x2800, $0x38;
	[tilespmem:$0xC900] =	vst v63  }
0x50: {  	s9 =	rddreg [dreg:$0x4];
	s5 =	simm.s32 $0x80;
	s7 =	simm.s32 $0x400  }
0x51: {  	[tilespmem:s2], [sflag:$0x1] =	stream.strided.gather [hbm4b:s9+s5], $0x4E80, s7, s5, $0x38;
	[tilespmem:$0xC900] =	vst v63  }
0x52: {  	_ =	swait.ge [sflag:s1], $0x2800  }
0x53: {  	[sflag:s1] =	ssyncset.done $0x0  }
0x54: {  	[sflag:s1] =	ssyncadd.s32 $0xFFFFD800  }
0x55: {  	_ =	swait.ge [sflag:s1], $0x4E80  }
0x56: {  	[sflag:s1] =	ssyncset.done $0x0  }
0x57: {  	s4 =	simm.s32 $0x0;
	[sflag:s1] =	ssyncadd.s32 $0xFFFFB180  }
.LBB2_2:
0x58: {  	s5 =	sshra.s32 s4, $0x2  }
0x59: {  	v1 =	vld [tilespmem:s5+$0x0];
	_ =	sdelay $0x7  }
0x5a: {  	[tilespmem:v1+s31+$0x0] =	vst.idx.add.f32.msk $0xffff, v0  }
0x5b: {  	v1 =	vld [tilespmem:s5+$0x10];
	_ =	sdelay $0x7  }
0x5c: {  	[tilespmem:v1+s31+$0x0] =	vst.idx.add.f32.msk $0xffff, v0  }
0x5d: {  	v1 =	vld [tilespmem:s5+$0x20];
	_ =	sdelay $0x7  }
0x5e: {  	[tilespmem:v1+s31+$0x0] =	vst.idx.add.f32.msk $0xffff, v0  }
0x5f: {  	v1 =	vld [tilespmem:s5+$0x30];
	_ =	sdelay $0x7  }
0x60: {  	[tilespmem:v1+s31+$0x0] =	vst.idx.add.f32.msk $0xffff, v0  }
0x61: {  	v1 =	vld [tilespmem:s5+$0x40];
	_ =	sdelay $0x2  }
0x62: {  	p0 =	sne.s32 s4, $0x13740  }
.Ltmp0:
0x63: {  	_ = 	snop;
	(pc) =	sbr.rel @p0 .LBB2_2-.Ltmp0, $2  }
0x64: {  	_ =	sdelay $0x2  }
0x65: {  	s4 =	sadd.s32 $0x140, s4;
	[tilespmem:v1+s31+$0x0] =	vst.idx.add.f32.msk $0xffff, v0  }
0x66: {  	s4 =	rddreg [dreg:$0x5]  }
0x67: {  	[spmem:s4] =	stream.linear.scatter [tilespmem:s31], [sflag:$0x2], $0x2800, $0x38;
	[tilespmem:$0xC900] =	vst v63  }
0x68: {  	_ =	swait.ge [sflag:s0], $0x2800  }
0x69: {  	[sflag:s0] =	ssyncset.done $0x0  }
0x6a: {  	[sflag:s0] =	ssyncadd.s32 $0xFFFFD800  }
0x6b: {  	s8 =	simm.s32 $0x7680;
	[bflag:$0x0] =	sbarrier.arrive $0xFFFF  }
0x6c: {  	[tilespmem:s8], [sflag:$0x2] =	stream.linear.gather [spmem:s6], $0x80, $0x38;
	[tilespmem:$0xC900] =	vst v63  }
0x6d: {  	s5 =	simm.s32 $0x7A80;
	s9 =	rddreg [dreg:$0x17]  }
0x6e: {  	[tilespmem:s5], [sflag:$0x2] =	stream.linear.gather [spmem:s9], $0x80, $0x38;
	[tilespmem:$0xC900] =	vst v63  }
0x6f: {  	s7 =	simm.s32 $0x7E80;
	s5 =	rddreg [dreg:$0x18]  }
0x70: {  	[tilespmem:s7], [sflag:$0x2] =	stream.linear.gather [spmem:s5], $0x80, $0x38;
	[tilespmem:$0xC900] =	vst v63  }
0x71: {  	s8 =	rddreg [dreg:$0x19];
	s9 =	simm.s32 $0x8280  }
0x72: {  	[tilespmem:s9], [sflag:$0x2] =	stream.linear.gather [spmem:s8], $0x80, $0x38;
	[tilespmem:$0xC900] =	vst v63  }
0x73: {  	s5 =	rddreg [dreg:$0x1a];
	s7 =	simm.s32 $0x8680  }
0x74: {  	[tilespmem:s7], [sflag:$0x2] =	stream.linear.gather [spmem:s5], $0x80, $0x38;
	[tilespmem:$0xC900] =	vst v63  }
0x75: {  	_ =	swait.ge [sflag:s0], $0x280  }
0x76: {  	[sflag:s0] =	ssyncset.done $0x0  }
0x77: {  	s9 =	simm.s32 $0x7700;
	s8 =	rddreg [dreg:$0x6];
	[sflag:s0] =	ssyncadd.s32 $0xFFFFFD80  }
0x78: {  	[tilespmem:s9], [sflag:$0x2] =	stream.linear.gather [spmem:s8], $0x80, $0x38;
	[tilespmem:$0xC900] =	vst v63  }
0x79: {  	s7 =	simm.s32 $0x7B00;
	s5 =	rddreg [dreg:$0x1b]  }
0x7a: {  	[tilespmem:s7], [sflag:$0x2] =	stream.linear.gather [spmem:s5], $0x80, $0x38;
	[tilespmem:$0xC900] =	vst v63  }
0x7b: {  	s8 =	rddreg [dreg:$0x1c];
	s9 =	simm.s32 $0x7F00  }
0x7c: {  	[tilespmem:s9], [sflag:$0x2] =	stream.linear.gather [spmem:s8], $0x80, $0x38;
	[tilespmem:$0xC900] =	vst v63  }
0x7d: {  	s5 =	rddreg [dreg:$0x1d];
	s7 =	simm.s32 $0x8300  }
0x7e: {  	[tilespmem:s7], [sflag:$0x2] =	stream.linear.gather [spmem:s5], $0x80, $0x38;
	[tilespmem:$0xC900] =	vst v63  }
0x7f: {  	s8 =	rddreg [dreg:$0x1e];
	s9 =	simm.s32 $0x8700  }
0x80: {  	[tilespmem:s9], [sflag:$0x2] =	stream.linear.gather [spmem:s8], $0x80, $0x38;
	[tilespmem:$0xC900] =	vst v63  }
0x81: {  	_ =	swait.ge [sflag:s0], $0x280  }
0x82: {  	[sflag:s0] =	ssyncset.done $0x0;
	s5 =	rddreg [dreg:$0x7]  }
0x83: {  	s7 =	simm.s32 $0x7780;
	s8 =	rddreg [dreg:$0x1f];
	[sflag:s0] =	ssyncadd.s32 $0xFFFFFD80  }
0x84: {  	[tilespmem:s7], [sflag:$0x2] =	stream.linear.gather [spmem:s5], $0x80, $0x38;
	[tilespmem:$0xC900] =	vst v63  }
0x85: {  	s9 =	simm.s32 $0x7B80;
	s5 =	sld [smem:$0x7DB]  }
0x86: {  	[tilespmem:s9], [sflag:$0x2] =	stream.linear.gather [spmem:s8], $0x80, $0x38;
	[tilespmem:$0xC900] =	vst v63  }
0x87: {  	s7 =	simm.s32 $0x7F80;
	s8 =	sld [smem:$0x7DC]  }
0x88: {  	[tilespmem:s7], [sflag:$0x2] =	stream.linear.gather [spmem:s5], $0x80, $0x38;
	[tilespmem:$0xC900] =	vst v63  }
0x89: {  	s9 =	simm.s32 $0x8380;
	s5 =	sld [smem:$0x7DD]  }
0x8a: {  	[tilespmem:s9], [sflag:$0x2] =	stream.linear.gather [spmem:s8], $0x80, $0x38;
	[tilespmem:$0xC900] =	vst v63  }
0x8b: {  	s7 =	simm.s32 $0x8780  }
0x8c: {  	[tilespmem:s7], [sflag:$0x2] =	stream.linear.gather [spmem:s5], $0x80, $0x38;
	[tilespmem:$0xC900] =	vst v63  }
0x8d: {  	_ =	swait.ge [sflag:s0], $0x280  }
0x8e: {  	[sflag:s0] =	ssyncset.done $0x0;
	s8 =	rddreg [dreg:$0x8]  }
0x8f: {  	s9 =	simm.s32 $0x7800;
	s5 =	sld [smem:$0x7DE];
	[sflag:s0] =	ssyncadd.s32 $0xFFFFFD80  }
0x90: {  	[tilespmem:s9], [sflag:$0x2] =	stream.linear.gather [spmem:s8], $0x80, $0x38;
	[tilespmem:$0xC900] =	vst v63  }
0x91: {  	s7 =	simm.s32 $0x7C00;
	s8 =	sld [smem:$0x7DF]  }
0x92: {  	[tilespmem:s7], [sflag:$0x2] =	stream.linear.gather [spmem:s5], $0x80, $0x38;
	[tilespmem:$0xC900] =	vst v63  }
0x93: {  	s9 =	simm.s32 $0x8000;
	s5 =	sld [smem:$0x7E0]  }
0x94: {  	[tilespmem:s9], [sflag:$0x2] =	stream.linear.gather [spmem:s8], $0x80, $0x38;
	[tilespmem:$0xC900] =	vst v63  }
0x95: {  	s7 =	simm.s32 $0x8400;
	s8 =	sld [smem:$0x7E1]  }
0x96: {  	[tilespmem:s7], [sflag:$0x2] =	stream.linear.gather [spmem:s5], $0x80, $0x38;
	[tilespmem:$0xC900] =	vst v63  }
0x97: {  	s9 =	simm.s32 $0x8800  }
0x98: {  	[tilespmem:s9], [sflag:$0x2] =	stream.linear.gather [spmem:s8], $0x80, $0x38;
	[tilespmem:$0xC900] =	vst v63  }
0x99: {  	_ =	swait.ge [sflag:s0], $0x280  }
0x9a: {  	[sflag:s0] =	ssyncset.done $0x0;
	s5 =	rddreg [dreg:$0x9]  }
0x9b: {  	s7 =	simm.s32 $0x7880;
	s8 =	sld [smem:$0x7E2];
	[sflag:s0] =	ssyncadd.s32 $0xFFFFFD80  }
0x9c: {  	[tilespmem:s7], [sflag:$0x2] =	stream.linear.gather [spmem:s5], $0x80, $0x38;
	[tilespmem:$0xC900] =	vst v63  }
0x9d: {  	s9 =	simm.s32 $0x7C80;
	s5 =	sld [smem:$0x7E3]  }
0x9e: {  	[tilespmem:s9], [sflag:$0x2] =	stream.linear.gather [spmem:s8], $0x80, $0x38;
	[tilespmem:$0xC900] =	vst v63  }
0x9f: {  	s7 =	simm.s32 $0x8080;
	s8 =	sld [smem:$0x7E4]  }
0xa0: {  	[tilespmem:s7], [sflag:$0x2] =	stream.linear.gather [spmem:s5], $0x80, $0x38;
	[tilespmem:$0xC900] =	vst v63  }
0xa1: {  	s9 =	simm.s32 $0x8480;
	s5 =	sld [smem:$0x7E5]  }
0xa2: {  	[tilespmem:s9], [sflag:$0x2] =	stream.linear.gather [spmem:s8], $0x80, $0x38;
	[tilespmem:$0xC900] =	vst v63  }
0xa3: {  	s7 =	simm.s32 $0x8880  }
0xa4: {  	[tilespmem:s7], [sflag:$0x2] =	stream.linear.gather [spmem:s5], $0x80, $0x38;
	[tilespmem:$0xC900] =	vst v63  }
0xa5: {  	_ =	swait.ge [sflag:s0], $0x280  }
0xa6: {  	[sflag:s0] =	ssyncset.done $0x0;
	s8 =	rddreg [dreg:$0xa]  }
0xa7: {  	s9 =	simm.s32 $0x7900;
	s5 =	sld [smem:$0x7E6];
	[sflag:s0] =	ssyncadd.s32 $0xFFFFFD80  }
0xa8: {  	[tilespmem:s9], [sflag:$0x2] =	stream.linear.gather [spmem:s8], $0x80, $0x38;
	[tilespmem:$0xC900] =	vst v63  }
0xa9: {  	s7 =	simm.s32 $0x7D00;
	s8 =	sld [smem:$0x7E7]  }
0xaa: {  	[tilespmem:s7], [sflag:$0x2] =	stream.linear.gather [spmem:s5], $0x80, $0x38;
	[tilespmem:$0xC900] =	vst v63  }
0xab: {  	s9 =	simm.s32 $0x8100;
	s5 =	sld [smem:$0x7E8]  }
0xac: {  	[tilespmem:s9], [sflag:$0x2] =	stream.linear.gather [spmem:s8], $0x80, $0x38;
	[tilespmem:$0xC900] =	vst v63  }
0xad: {  	s7 =	simm.s32 $0x8500;
	s8 =	sld [smem:$0x7E9]  }
0xae: {  	[tilespmem:s7], [sflag:$0x2] =	stream.linear.gather [spmem:s5], $0x80, $0x38;
	[tilespmem:$0xC900] =	vst v63  }
0xaf: {  	s9 =	simm.s32 $0x8900  }
0xb0: {  	[tilespmem:s9], [sflag:$0x2] =	stream.linear.gather [spmem:s8], $0x80, $0x38;
	[tilespmem:$0xC900] =	vst v63  }
0xb1: {  	_ =	swait.ge [sflag:s0], $0x280  }
0xb2: {  	[sflag:s0] =	ssyncset.done $0x0;
	s5 =	rddreg [dreg:$0xb]  }
0xb3: {  	s7 =	simm.s32 $0x7980;
	s8 =	sld [smem:$0x7EA];
	[sflag:s0] =	ssyncadd.s32 $0xFFFFFD80  }
0xb4: {  	[tilespmem:s7], [sflag:$0x2] =	stream.linear.gather [spmem:s5], $0x80, $0x38;
	[tilespmem:$0xC900] =	vst v63  }
0xb5: {  	s9 =	simm.s32 $0x7D80;
	s5 =	sld [smem:$0x7EB]  }
0xb6: {  	[tilespmem:s9], [sflag:$0x2] =	stream.linear.gather [spmem:s8], $0x80, $0x38;
	[tilespmem:$0xC900] =	vst v63  }
0xb7: {  	s7 =	simm.s32 $0x8180;
	s8 =	sld [smem:$0x7EC]  }
0xb8: {  	[tilespmem:s7], [sflag:$0x2] =	stream.linear.gather [spmem:s5], $0x80, $0x38;
	[tilespmem:$0xC900] =	vst v63  }
0xb9: {  	s9 =	simm.s32 $0x8580;
	s5 =	sld [smem:$0x7ED]  }
0xba: {  	[tilespmem:s9], [sflag:$0x2] =	stream.linear.gather [spmem:s8], $0x80, $0x38;
	[tilespmem:$0xC900] =	vst v63  }
0xbb: {  	s7 =	simm.s32 $0x8980  }
0xbc: {  	[tilespmem:s7], [sflag:$0x2] =	stream.linear.gather [spmem:s5], $0x80, $0x38;
	[tilespmem:$0xC900] =	vst v63  }
0xbd: {  	_ =	swait.ge [sflag:s0], $0x280  }
0xbe: {  	[sflag:s0] =	ssyncset.done $0x0;
	s8 =	rddreg [dreg:$0xc]  }
0xbf: {  	s9 =	simm.s32 $0x7A00;
	s5 =	sld [smem:$0x7EE];
	[sflag:s0] =	ssyncadd.s32 $0xFFFFFD80  }
0xc0: {  	[tilespmem:s9], [sflag:$0x2] =	stream.linear.gather [spmem:s8], $0x80, $0x38;
	[tilespmem:$0xC900] =	vst v63  }
0xc1: {  	s7 =	simm.s32 $0x7E00;
	s8 =	sld [smem:$0x7EF]  }
0xc2: {  	[tilespmem:s7], [sflag:$0x2] =	stream.linear.gather [spmem:s5], $0x80, $0x38;
	[tilespmem:$0xC900] =	vst v63  }
0xc3: {  	s9 =	simm.s32 $0x8200;
	s5 =	sld [smem:$0x7F0]  }
0xc4: {  	[tilespmem:s9], [sflag:$0x2] =	stream.linear.gather [spmem:s8], $0x80, $0x38;
	[tilespmem:$0xC900] =	vst v63  }
0xc5: {  	s7 =	simm.s32 $0x8600;
	s8 =	sld [smem:$0x7F1]  }
0xc6: {  	[tilespmem:s7], [sflag:$0x2] =	stream.linear.gather [spmem:s5], $0x80, $0x38;
	[tilespmem:$0xC900] =	vst v63  }
0xc7: {  	s9 =	simm.s32 $0x8A00  }
0xc8: {  	[tilespmem:s9], [sflag:$0x2] =	stream.linear.gather [spmem:s8], $0x80, $0x38;
	[tilespmem:$0xC900] =	vst v63  }
0xc9: {  	_ =	swait.ge [sflag:s0], $0x280  }
0xca: {  	[sflag:s0] =	ssyncset.done $0x0;
	s5 =	rddreg [dreg:$0xd]  }
0xcb: {  	s7 =	simm.s32 $0x8A80;
	s8 =	sld [smem:$0x7F2];
	[sflag:s0] =	ssyncadd.s32 $0xFFFFFD80  }
0xcc: {  	[tilespmem:s7], [sflag:$0x2] =	stream.linear.gather [spmem:s5], $0x80, $0x38;
	[tilespmem:$0xC900] =	vst v63  }
0xcd: {  	s9 =	simm.s32 $0x8E80;
	s5 =	sld [smem:$0x7F3]  }
0xce: {  	[tilespmem:s9], [sflag:$0x2] =	stream.linear.gather [spmem:s8], $0x80, $0x38;
	[tilespmem:$0xC900] =	vst v63  }
0xcf: {  	s7 =	simm.s32 $0x9280;
	s8 =	sld [smem:$0x7F4]  }
0xd0: {  	[tilespmem:s7], [sflag:$0x2] =	stream.linear.gather [spmem:s5], $0x80, $0x38;
	[tilespmem:$0xC900] =	vst v63  }
0xd1: {  	s9 =	simm.s32 $0x9680;
	s5 =	sld [smem:$0x7F5]  }
0xd2: {  	[tilespmem:s9], [sflag:$0x2] =	stream.linear.gather [spmem:s8], $0x80, $0x38;
	[tilespmem:$0xC900] =	vst v63  }
0xd3: {  	s7 =	simm.s32 $0x9A80  }
0xd4: {  	[tilespmem:s7], [sflag:$0x2] =	stream.linear.gather [spmem:s5], $0x80, $0x38;
	[tilespmem:$0xC900] =	vst v63  }
0xd5: {  	_ =	swait.ge [sflag:s0], $0x280  }
0xd6: {  	[sflag:s0] =	ssyncset.done $0x0;
	s8 =	rddreg [dreg:$0xe]  }
0xd7: {  	s9 =	simm.s32 $0x8B00;
	s5 =	sld [smem:$0x7F6];
	[sflag:s0] =	ssyncadd.s32 $0xFFFFFD80  }
0xd8: {  	[tilespmem:s9], [sflag:$0x2] =	stream.linear.gather [spmem:s8], $0x80, $0x38;
	[tilespmem:$0xC900] =	vst v63  }
0xd9: {  	s7 =	simm.s32 $0x8F00;
	s8 =	sld [smem:$0x7F7]  }
0xda: {  	[tilespmem:s7], [sflag:$0x2] =	stream.linear.gather [spmem:s5], $0x80, $0x38;
	[tilespmem:$0xC900] =	vst v63  }
0xdb: {  	s9 =	simm.s32 $0x9300;
	s5 =	sld [smem:$0x7F8]  }
0xdc: {  	[tilespmem:s9], [sflag:$0x2] =	stream.linear.gather [spmem:s8], $0x80, $0x38;
	[tilespmem:$0xC900] =	vst v63  }
0xdd: {  	s7 =	simm.s32 $0x9700;
	s8 =	sld [smem:$0x7F9]  }
0xde: {  	[tilespmem:s7], [sflag:$0x2] =	stream.linear.gather [spmem:s5], $0x80, $0x38;
	[tilespmem:$0xC900] =	vst v63  }
0xdf: {  	s9 =	simm.s32 $0x9B00  }
0xe0: {  	[tilespmem:s9], [sflag:$0x2] =	stream.linear.gather [spmem:s8], $0x80, $0x38;
	[tilespmem:$0xC900] =	vst v63  }
0xe1: {  	_ =	swait.ge [sflag:s0], $0x280  }
0xe2: {  	[sflag:s0] =	ssyncset.done $0x0;
	s5 =	rddreg [dreg:$0xf]  }
0xe3: {  	s7 =	simm.s32 $0x8B80;
	s8 =	sld [smem:$0x7FA];
	[sflag:s0] =	ssyncadd.s32 $0xFFFFFD80  }
0xe4: {  	[tilespmem:s7], [sflag:$0x2] =	stream.linear.gather [spmem:s5], $0x80, $0x38;
	[tilespmem:$0xC900] =	vst v63  }
0xe5: {  	s9 =	simm.s32 $0x8F80;
	s5 =	sld [smem:$0x7FB]  }
0xe6: {  	[tilespmem:s9], [sflag:$0x2] =	stream.linear.gather [spmem:s8], $0x80, $0x38;
	[tilespmem:$0xC900] =	vst v63  }
0xe7: {  	s7 =	simm.s32 $0x9380;
	s8 =	sld [smem:$0x7FC]  }
0xe8: {  	[tilespmem:s7], [sflag:$0x2] =	stream.linear.gather [spmem:s5], $0x80, $0x38;
	[tilespmem:$0xC900] =	vst v63  }
0xe9: {  	s9 =	simm.s32 $0x9780;
	s5 =	sld [smem:$0x7FD]  }
0xea: {  	[tilespmem:s9], [sflag:$0x2] =	stream.linear.gather [spmem:s8], $0x80, $0x38;
	[tilespmem:$0xC900] =	vst v63  }
0xeb: {  	s7 =	simm.s32 $0x9B80  }
0xec: {  	[tilespmem:s7], [sflag:$0x2] =	stream.linear.gather [spmem:s5], $0x80, $0x38;
	[tilespmem:$0xC900] =	vst v63  }
0xed: {  	_ =	swait.ge [sflag:s0], $0x280  }
0xee: {  	[sflag:s0] =	ssyncset.done $0x0  }
0xef: {  	s9 =	simm.s32 $0x8C00;
	s8 =	rddreg [dreg:$0x10];
	[sflag:s0] =	ssyncadd.s32 $0xFFFFFD80  }
0xf0: {  	[tilespmem:s9], [sflag:$0x2] =	stream.linear.gather [spmem:s8], $0x80, $0x38;
	[tilespmem:$0xC900] =	vst v63  }
0xf1: {  	s5 =	simm.s32 $0x9000  }
0xf2: {  	[tilespmem:s5], [sflag:$0x2] =	stream.linear.gather [spmem:s10], $0x80, $0x38;
	[tilespmem:$0xC900] =	vst v63  }
0xf3: {  	s7 =	simm.s32 $0x9400  }
0xf4: {  	[tilespmem:s7], [sflag:$0x2] =	stream.linear.gather [spmem:s11], $0x80, $0x38;
	[tilespmem:$0xC900] =	vst v63  }
0xf5: {  	s8 =	simm.s32 $0x9800  }
0xf6: {  	[tilespmem:s8], [sflag:$0x2] =	stream.linear.gather [spmem:s12], $0x80, $0x38;
	[tilespmem:$0xC900] =	vst v63  }
0xf7: {  	s9 =	simm.s32 $0x9C00  }
0xf8: {  	[tilespmem:s9], [sflag:$0x2] =	stream.linear.gather [spmem:s13], $0x80, $0x38;
	[tilespmem:$0xC900] =	vst v63  }
0xf9: {  	_ =	swait.ge [sflag:s0], $0x280  }
0xfa: {  	[sflag:s0] =	ssyncset.done $0x0  }
0xfb: {  	s7 =	simm.s32 $0x8C80;
	s5 =	rddreg [dreg:$0x11];
	[sflag:s0] =	ssyncadd.s32 $0xFFFFFD80  }
0xfc: {  	[tilespmem:s7], [sflag:$0x2] =	stream.linear.gather [spmem:s5], $0x80, $0x38;
	[tilespmem:$0xC900] =	vst v63  }
0xfd: {  	s8 =	simm.s32 $0x9080  }
0xfe: {  	[tilespmem:s8], [sflag:$0x2] =	stream.linear.gather [spmem:s14], $0x80, $0x38;
	[tilespmem:$0xC900] =	vst v63  }
0xff: {  	s9 =	simm.s32 $0x9480  }
0x100: {  	[tilespmem:s9], [sflag:$0x2] =	stream.linear.gather [spmem:s15], $0x80, $0x38;
	[tilespmem:$0xC900] =	vst v63  }
0x101: {  	s5 =	simm.s32 $0x9880  }
0x102: {  	[tilespmem:s5], [sflag:$0x2] =	stream.linear.gather [spmem:s16], $0x80, $0x38;
	[tilespmem:$0xC900] =	vst v63  }
0x103: {  	s7 =	simm.s32 $0x9C80  }
0x104: {  	[tilespmem:s7], [sflag:$0x2] =	stream.linear.gather [spmem:s17], $0x80, $0x38;
	[tilespmem:$0xC900] =	vst v63  }
0x105: {  	_ =	swait.ge [sflag:s0], $0x280  }
0x106: {  	[sflag:s0] =	ssyncset.done $0x0  }
0x107: {  	s9 =	simm.s32 $0x8D00;
	s8 =	rddreg [dreg:$0x12];
	[sflag:s0] =	ssyncadd.s32 $0xFFFFFD80  }
0x108: {  	[tilespmem:s9], [sflag:$0x2] =	stream.linear.gather [spmem:s8], $0x80, $0x38;
	[tilespmem:$0xC900] =	vst v63  }
0x109: {  	s5 =	simm.s32 $0x9100  }
0x10a: {  	[tilespmem:s5], [sflag:$0x2] =	stream.linear.gather [spmem:s18], $0x80, $0x38;
	[tilespmem:$0xC900] =	vst v63  }
0x10b: {  	s7 =	simm.s32 $0x9500  }
0x10c: {  	[tilespmem:s7], [sflag:$0x2] =	stream.linear.gather [spmem:s19], $0x80, $0x38;
	[tilespmem:$0xC900] =	vst v63  }
0x10d: {  	s8 =	simm.s32 $0x9900  }
0x10e: {  	[tilespmem:s8], [sflag:$0x2] =	stream.linear.gather [spmem:s20], $0x80, $0x38;
	[tilespmem:$0xC900] =	vst v63  }
0x10f: {  	s9 =	simm.s32 $0x9D00  }
0x110: {  	[tilespmem:s9], [sflag:$0x2] =	stream.linear.gather [spmem:s21], $0x80, $0x38;
	[tilespmem:$0xC900] =	vst v63  }
0x111: {  	_ =	swait.ge [sflag:s0], $0x280  }
0x112: {  	[sflag:s0] =	ssyncset.done $0x0  }
0x113: {  	s7 =	simm.s32 $0x8D80;
	s5 =	rddreg [dreg:$0x13];
	[sflag:s0] =	ssyncadd.s32 $0xFFFFFD80  }
0x114: {  	[tilespmem:s7], [sflag:$0x2] =	stream.linear.gather [spmem:s5], $0x80, $0x38;
	[tilespmem:$0xC900] =	vst v63  }
0x115: {  	s8 =	simm.s32 $0x9180  }
0x116: {  	[tilespmem:s8], [sflag:$0x2] =	stream.linear.gather [spmem:s22], $0x80, $0x38;
	[tilespmem:$0xC900] =	vst v63  }
0x117: {  	s9 =	simm.s32 $0x9580  }
0x118: {  	[tilespmem:s9], [sflag:$0x2] =	stream.linear.gather [spmem:s23], $0x80, $0x38;
	[tilespmem:$0xC900] =	vst v63  }
0x119: {  	s5 =	simm.s32 $0x9980  }
0x11a: {  	[tilespmem:s5], [sflag:$0x2] =	stream.linear.gather [spmem:s24], $0x80, $0x38;
	[tilespmem:$0xC900] =	vst v63  }
0x11b: {  	s7 =	simm.s32 $0x9D80  }
0x11c: {  	[tilespmem:s7], [sflag:$0x2] =	stream.linear.gather [spmem:s25], $0x80, $0x38;
	[tilespmem:$0xC900] =	vst v63  }
0x11d: {  	_ =	swait.ge [sflag:s0], $0x280  }
0x11e: {  	[sflag:s0] =	ssyncset.done $0x0  }
0x11f: {  	s9 =	simm.s32 $0x8E00;
	s8 =	rddreg [dreg:$0x14];
	[sflag:s0] =	ssyncadd.s32 $0xFFFFFD80  }
0x120: {  	[tilespmem:s9], [sflag:$0x2] =	stream.linear.gather [spmem:s8], $0x80, $0x38;
	[tilespmem:$0xC900] =	vst v63  }
0x121: {  	s7 =	simm.s32 $0x9200  }
0x122: {  	[tilespmem:s7], [sflag:$0x2] =	stream.linear.gather [spmem:s26], $0x80, $0x38;
	[tilespmem:$0xC900] =	vst v63  }
0x123: {  	s8 =	simm.s32 $0x9600  }
0x124: {  	[tilespmem:s8], [sflag:$0x2] =	stream.linear.gather [spmem:s28], $0x80, $0x38;
	[tilespmem:$0xC900] =	vst v63  }
0x125: {  	s9 =	simm.s32 $0x9A00  }
0x126: {  	[tilespmem:s9], [sflag:$0x2] =	stream.linear.gather [spmem:s29], $0x80, $0x38;
	[tilespmem:$0xC900] =	vst v63  }
0x127: {  	s5 =	simm.s32 $0x9E00  }
0x128: {  	[tilespmem:s5], [sflag:$0x2] =	stream.linear.gather [spmem:s30], $0x80, $0x38;
	[tilespmem:$0xC900] =	vst v63  }
0x129: {  	s7 =	simm.s32 $0x0;
	_ =	swait.ge [sflag:s0], $0x280  }
0x12a: {  	s4 =	sand.u32 $0x1C00, s7;
	s8 =	sand.u32 $0x70, s7;
	[sflag:s0] =	ssyncset.done $0x0  }
0x12b: {  	s4 =	sor.u32 s8, s4;
	[sflag:s0] =	ssyncadd.s32 $0xFFFFFD80  }
0x12c: {  	v1 =	vld [tilespmem:s4+$0x7700]  }
0x12d: {  	v2 =	vld [tilespmem:s4+$0x7680];
	_ =	sdelay $0x1  }
0x12e: {  	v3 =	vld [tilespmem:s4+$0x7780];
	_ =	sdelay $0x1  }
0x12f: {  	v4 =	vld [tilespmem:s4+$0x7800]  }
0x130: {  	v1 =	vadd.f32 v1, v2  }
0x131: {  	v2 =	vld [tilespmem:s4+$0x7880]  }
0x132: {  	v1 =	vadd.f32 v3, v1  }
0x133: {  	v3 =	vld [tilespmem:s4+$0x7900]  }
0x134: {  	v1 =	vadd.f32 v4, v1  }
0x135: {  	v60 =	vld [tilespmem:s4+$0x7980]  }
0x136: {  	v1 =	vadd.f32 v2, v1  }
0x137: {  	v2 =	vld [tilespmem:s4+$0x7A00]  }
0x138: {  	v1 =	vadd.f32 v3, v1  }
0x139: {  	v3 =	vld [tilespmem:s4+$0x8A80]  }
0x13a: {  	v1 =	vadd.f32 v60, v1  }
0x13b: {  	v61 =	vld [tilespmem:s4+$0x8B00]  }
0x13c: {  	v1 =	vadd.f32 v2, v1  }
0x13d: {  	v2 =	vld [tilespmem:s4+$0x8B80]  }
0x13e: {  	v1 =	vadd.f32 v3, v1  }
0x13f: {  	v3 =	vld [tilespmem:s4+$0x8C00]  }
0x140: {  	v1 =	vadd.f32 v61, v1  }
0x141: {  	v62 =	vld [tilespmem:s4+$0x8C80]  }
0x142: {  	v1 =	vadd.f32 v2, v1  }
0x143: {  	v2 =	vld [tilespmem:s4+$0x8D00]  }
0x144: {  	v1 =	vadd.f32 v3, v1  }
0x145: {  	v3 =	vld [tilespmem:s4+$0x8D80]  }
0x146: {  	v1 =	vadd.f32 v62, v1  }
0x147: {  	v63 =	vld [tilespmem:s4+$0x8E00]  }
0x148: {  	v1 =	vadd.f32 v2, v1;
	_ =	sdelay $0x1  }
0x149: {  	v1 =	vadd.f32 v3, v1;
	_ =	sdelay $0x1  }
0x14a: {  	s7 =	simm.s32 $0x80;
	s9 =	simm.s32 $0x10;
	v1 =	vadd.f32 v63, v1  }
0x14b: {  	s8 =	sand.u32 $0x1C00, s7;
	s5 =	sand.u32 $0x70, s9;
	s4 =	simm.s32 $0x9E80  }
0x14c: {  	s5 =	sor.u32 s5, s8;
	s8 =	simm.s32 $0x20;
	[tilespmem:s4+$0x0] =	vst v1  }
.LBB2_4:
0x14d: {  	p0 =	sne.s32 s8, $0x270;
	v1 =	vld [tilespmem:s5+$0x7700]  }
0x14e: {  	v2 =	vld [tilespmem:s5+$0x7680];
	_ =	sdelay $0x1  }
0x14f: {  	v3 =	vld [tilespmem:s5+$0x7780];
	_ =	sdelay $0x1  }
0x150: {  	v4 =	vld [tilespmem:s5+$0x7800]  }
0x151: {  	v1 =	vadd.f32 v1, v2  }
0x152: {  	v2 =	vld [tilespmem:s5+$0x7880]  }
0x153: {  	v1 =	vadd.f32 v3, v1  }
0x154: {  	v3 =	vld [tilespmem:s5+$0x7900]  }
0x155: {  	v1 =	vadd.f32 v4, v1  }
0x156: {  	v4 =	vld [tilespmem:s5+$0x7980]  }
0x157: {  	v1 =	vadd.f32 v2, v1  }
0x158: {  	v2 =	vld [tilespmem:s5+$0x7A00]  }
0x159: {  	v1 =	vadd.f32 v3, v1  }
0x15a: {  	v3 =	vld [tilespmem:s5+$0x8A80]  }
0x15b: {  	v1 =	vadd.f32 v4, v1  }
0x15c: {  	v4 =	vld [tilespmem:s5+$0x8B00]  }
0x15d: {  	v1 =	vadd.f32 v2, v1  }
0x15e: {  	v2 =	vld [tilespmem:s5+$0x8B80]  }
0x15f: {  	v1 =	vadd.f32 v3, v1  }
0x160: {  	v3 =	vld [tilespmem:s5+$0x8C00]  }
0x161: {  	v1 =	vadd.f32 v4, v1  }
0x162: {  	v4 =	vld [tilespmem:s5+$0x8C80]  }
0x163: {  	v1 =	vadd.f32 v2, v1  }
0x164: {  	v2 =	vld [tilespmem:s5+$0x8D00]  }
0x165: {  	v1 =	vadd.f32 v3, v1  }
0x166: {  	v3 =	vld [tilespmem:s5+$0x8D80]  }
0x167: {  	v1 =	vadd.f32 v4, v1  }
0x168: {  	v4 =	vld [tilespmem:s5+$0x8E00]  }
0x169: {  	v1 =	vadd.f32 v2, v1;
	_ =	sdelay $0x1  }
.Ltmp1:
0x16a: {  	v1 =	vadd.f32 v3, v1;
	(pc) =	sbr.rel @p0 .LBB2_4-.Ltmp1, $4  }
0x16b: {  	_ = 	snop  }
0x16c: {  	s7 =	sadd.s32 $0x80, s7;
	v1 =	vadd.f32 v4, v1  }
0x16d: {  	s4 =	sadd.s32 $0x10, s4;
	s9 =	sand.u32 $0x1C00, s7;
	s5 =	sand.u32 $0x70, s8  }
0x16e: {  	s8 =	sadd.s32 $0x10, s8;
	s5 =	sor.u32 s5, s9;
	[tilespmem:s4+$0x0] =	vst v1  }
0x16f: {  	v1 =	vld [tilespmem:s5+$0x7700]  }
0x170: {  	v2 =	vld [tilespmem:s5+$0x7680];
	_ =	sdelay $0x1  }
0x171: {  	v3 =	vld [tilespmem:s5+$0x7780];
	_ =	sdelay $0x1  }
0x172: {  	v4 =	vld [tilespmem:s5+$0x7800]  }
0x173: {  	v1 =	vadd.f32 v1, v2  }
0x174: {  	v2 =	vld [tilespmem:s5+$0x7880]  }
0x175: {  	v1 =	vadd.f32 v3, v1  }
0x176: {  	v3 =	vld [tilespmem:s5+$0x7900]  }
0x177: {  	v1 =	vadd.f32 v4, v1  }
0x178: {  	v60 =	vld [tilespmem:s5+$0x7980]  }
0x179: {  	v1 =	vadd.f32 v2, v1  }
0x17a: {  	v2 =	vld [tilespmem:s5+$0x7A00]  }
0x17b: {  	v1 =	vadd.f32 v3, v1  }
0x17c: {  	v3 =	vld [tilespmem:s5+$0x8A80]  }
0x17d: {  	v1 =	vadd.f32 v60, v1  }
0x17e: {  	v61 =	vld [tilespmem:s5+$0x8B00]  }
0x17f: {  	v1 =	vadd.f32 v2, v1  }
0x180: {  	v2 =	vld [tilespmem:s5+$0x8B80]  }
0x181: {  	v1 =	vadd.f32 v3, v1  }
0x182: {  	v3 =	vld [tilespmem:s5+$0x8C00]  }
0x183: {  	v1 =	vadd.f32 v61, v1  }
0x184: {  	v62 =	vld [tilespmem:s5+$0x8C80]  }
0x185: {  	v1 =	vadd.f32 v2, v1  }
0x186: {  	v2 =	vld [tilespmem:s5+$0x8D00]  }
0x187: {  	v1 =	vadd.f32 v3, v1  }
0x188: {  	v3 =	vld [tilespmem:s5+$0x8D80]  }
0x189: {  	v1 =	vadd.f32 v62, v1  }
0x18a: {  	v63 =	vld [tilespmem:s5+$0x8E00]  }
0x18b: {  	v1 =	vadd.f32 v2, v1;
	_ =	sdelay $0x1  }
0x18c: {  	v1 =	vadd.f32 v3, v1;
	_ =	sdelay $0x1  }
0x18d: {  	v1 =	vadd.f32 v63, v1  }
0x18e: {  	s4 =	sadd.s32 $0x10, s4  }
0x18f: {  	s7 =	rddreg [dreg:$0x15];
	s8 =	simm.s32 $0x9E80;
	[tilespmem:s4+$0x0] =	vst v1  }
0x190: {  	[hbm4b:s7+s2] =	stream.linear.scatter [tilespmem:s8], [sflag:$0x2], $0x280, $0x38;
	[tilespmem:$0xC900] =	vst v63  }
0x191: {  	_ =	swait.ge [sflag:s0], $0x280  }
0x192: {  	s3 =	sadd.s32 $0x1, s3;
	s9 =	rddreg [dreg:$0x16]  }
0x193: {  	p0 =	sne.s32 s3, s9  }
.Ltmp2:
0x194: {  	_ = 	snop;
	(pc) =	sbr.rel @p0 .LBB2_1-.Ltmp2, $3  }
0x195: {  	_ =	sdelay $0x1  }
0x196: {  	[sflag:s0] =	ssyncset.done $0x0  }
0x197: {  	[sflag:s0] =	ssyncadd.s32 $0xFFFFFD80  }
0x198: {  	_ =	sfence.sel $0x180000  }
0x199: {  	[bflag:$0x0] =	sbarrier.arrive $0xFFFF  }
0x19a: {  	_ =	strace $0x90000047  }
0x19b: {  	s0 =	stileid.u32;
	[bflag:$0x2] =	sbarrier.arrive $0xFFFF  }
0x19c: {  	p0 =	sne.s32 s0, $0x0;
	s0 =	rddreg [dreg:$0x2]  }
0x19d: {  	s0 =	sadd.s32 @!p0 $0x100000, s0  }
0x19e: {  	[sflag:s0] =	ssyncadd.tile.s32 @!p0 $0x1;
	_ =	shalt  }
.Lfunc_end2:
_tile_overlayer_lowered:
.L_overlay_start_2:
0x19f: {  	(tag) =	ssettag $0x2  }
0x1a0: {  	s0 =	rddreg [dreg:$0x0];
	s2 =	stileid.u32  }
0x1a1: {  	s1 =	rddreg [dreg:$0x1];
	p0 =	sne.s32 s2, $0x0  }
0x1a2: {  	s3 =	rddreg [dreg:$0x2];
	[bflag:$0x3] =	sbarrier.arrive $0xFFFF;
	s2 =	simm.s32 @!p0 $0x1C02  }
0x1a3: {  	[timem:s3], [sflag:s2] =	dma.local @!p0 [hbm:s0], s1  }
0x1a4: {  	s0 =	simm.s32 @!p0 $0x2  }
0x1a5: {  	_ =	swait.ge @!p0 [sflag:s0], s1  }
0x1a6: {  	s1 =	ssub.s32 @!p0 $0x0, s1;
	[sflag:s0] =	ssyncset.done @!p0 $0x0  }
0x1a7: {  	[sflag:s0] =	ssyncadd.s32 @!p0 s1  }
0x1a8: {  	[bflag:$0x3] =	sbarrier.arrive $0xFFFF  }
0x1a9: {  	_ =	shalt  }

// kernel: kernel.8.cloned.1.call-start
scs
__scs_entry_jumppad:
0x0: {  	(pc) =	sbr.rel $0x88, $3  }
0x1: {  	(tag) =	ssettag $0x0;
	lr =	simm.s32 $0x1  }
0x2: {  	[smem:$0x3F90] =	sst lr;
	_ =	strace $0xD0000000  }
0x3: {  	_ = 	snop  }
0x4: {  	_ = 	snop  }
0x5: {  	_ = 	snop  }
0x6: {  	_ = 	snop  }
0x7: {  	_ = 	snop  }
__scs_overlays_trampoline_lowered:
0x8: {  	[smem:$0x3F9F] =	sst s0  }
0x9: {  	[smem:$0x3FA0] =	sst s1  }
0xa: {  	[smem:$0x3FA1] =	sst s2  }
0xb: {  	[smem:$0x3FA2] =	sst s3  }
0xc: {  	[smem:$0x3FA3] =	sst s4  }
0xd: {  	[smem:$0x3FA4] =	sst s5  }
0xe: {  	[smem:$0x3FA5] =	sst s6  }
0xf: {  	[smem:$0x3FA6] =	sst s7  }
0x10: {  	[smem:$0x3FA7] =	sst s8  }
0x11: {  	[smem:$0x3FA8] =	sst s9;
	s0 =	simm.s32 @!p0 $0x0  }
0x12: {  	s1 =	sld [smem:$0x3F8E];
	s0 =	simm.s32 @p0 $0x1  }
0x13: {  	[smem:$0x3FA9] =	sst s0;
	s0 =	simm.s32 @!p1 $0x0  }
0x14: {  	s2 =	sld [smem:$0x3F8D];
	s0 =	simm.s32 @p1 $0x1  }
0x15: {  	[smem:$0x3FAA] =	sst s0;
	s0 =	simm.s32 @!p2 $0x0  }
0x16: {  	s3 =	sld [smem:$0x3FDB];
	s0 =	simm.s32 @p2 $0x1  }
0x17: {  	s4 =	simm.s32 $0x1BF5;
	[smem:$0x3FAC] =	sst s0  }
0x18: {  	s0 =	sld [smem:$0x3F8F];
	_ =	swait.ge [sflag:s4], $0x0  }
0x19: {  	s7 =	sld [smem:$0x3F90]  }
0x1a: {  	s8 =	sadd.s32 $0xFFFFE003, lr  }
0x1b: {  	s9 =	sadd.s32 $0xFFFFFEF7, lr;
	s5 =	simm.s32 $0xFFFFFFFF;
	p2 =	slt.u32 s8, $0xFFFFF086  }
0x1c: {  	p1 =	slt.u32 s9, $0xF7A;
	s5 =	simm.s32 @!p2 $0x0  }
0x1d: {  	s5 =	simm.s32 @p1 $0x1;
	p0 =	seq.s32 s7, s2  }
0x1e: {  	s7 =	smul.u32 @!p0 $0xF7A, s2;
	p2 =	seq.s32 @!p0 s5, $0x0  }
0x1f: {  	s9 =	smul.u32 $0xF7A, s1;
	s8 =	simm.s32 @!p0 $0x1BF5;
	p2 =	por !p2, p0  }
0x20: {  	[sflag:s8] =	ssyncset.s32 @!p0 $0xFFFFF086;
	s6 =	sadd.s32 @!p0 s3, s7;
	s7 =	simm.s32 @!p0 $0x108  }
0x21: {  	s3 =	sadd.s32 s3, s9;
	s6 =	sadd.s32 @!p0 $0x88, s6;
	s7 =	simm.s32 @p2 $0x1082  }
0x22: {  	[simem:s7], [sflag:s8] =	dma.local @!p0 [hbm:s6], $0xF7A  }
0x23: {  	s9 =	sor.u32 $0xD0000000, s2;
	s6 =	simm.s32 $0x108;
	_ =	swait.ge @!p0 [sflag:s8], $0x0  }
0x24: {  	s3 =	sadd.s32 $0x88, s3;
	s6 =	simm.s32 @!p1 $0x1082;
	[sflag:s4] =	ssyncset.s32 $0xFFFFF086  }
0x25: {  	[simem:s6], [sflag:s4] =	dma.local [hbm:s3], $0xF7A  }
0x26: {  	[smem:$0x3F90] =	sst s1;
	(tag) =	ssettag s2;
	_ =	strace s9  }
0x27: {  	s1 =	sld [smem:$0x3FA0]  }
0x28: {  	s2 =	sld [smem:$0x3FA1]  }
0x29: {  	s4 =	sld [smem:$0x3FA3]  }
0x2a: {  	p0 =	seq.s32 s5, $0x0;
	s5 =	sld [smem:$0x3FA4]  }
0x2b: {  	s6 =	sld [smem:$0x3FA5]  }
0x2c: {  	s7 =	sld [smem:$0x3FA6]  }
0x2d: {  	s3 =	simm.s32 $0x108;
	s8 =	sld [smem:$0x3FA7]  }
0x2e: {  	s3 =	simm.s32 @!p0 $0x1082;
	s9 =	sld [smem:$0x3FA8]  }
0x2f: {  	lr =	sadd.s32 s0, s3;
	s0 =	sld [smem:$0x3F9F]  }
0x30: {  	s3 =	sld [smem:$0x3FA2]  }
0x31: {  	[smem:$0x3FAB] =	sst s10  }
0x32: {  	s10 =	sld [smem:$0x3FA9];
	_ =	sdelay $0x3  }
0x33: {  	p0 =	seq.s32 s10, $0x1;
	s10 =	sld [smem:$0x3FAB];
	_ =	sdelay $0x3  }
0x34: {  	[smem:$0x3FAB] =	sst s10  }
0x35: {  	s10 =	sld [smem:$0x3FAA];
	_ =	sdelay $0x3  }
0x36: {  	p1 =	seq.s32 s10, $0x1;
	s10 =	sld [smem:$0x3FAB];
	_ =	sdelay $0x3  }
0x37: {  	[smem:$0x3FAB] =	sst s10  }
0x38: {  	s10 =	sld [smem:$0x3FAC]  }
0x39: {  	_ = 	snop;
	(pc) =	sbr.ind lr, $3  }
0x3a: {  	_ = 	snop  }
0x3b: {  	_ = 	snop  }
0x3c: {  	p2 =	seq.s32 s10, $0x1;
	s10 =	sld [smem:$0x3FAB]  }
0x3d: {  	_ =	shalt  }
0x3e: {  	_ =	shalt  }
0x3f: {  	_ =	shalt  }
0x40: {  	_ =	shalt  }
0x41: {  	_ =	shalt  }
0x42: {  	_ =	shalt  }
0x43: {  	_ =	shalt  }
0x44: {  	_ =	shalt  }
0x45: {  	_ =	shalt  }
0x46: {  	_ =	shalt  }
0x47: {  	_ =	shalt  }
0x48: {  	_ =	shalt  }
0x49: {  	_ =	shalt  }
0x4a: {  	_ =	shalt  }
0x4b: {  	_ =	shalt  }
0x4c: {  	_ =	shalt  }
0x4d: {  	_ =	shalt  }
0x4e: {  	_ =	shalt  }
0x4f: {  	_ =	shalt  }
0x50: {  	_ =	shalt  }
0x51: {  	_ =	shalt  }
0x52: {  	_ =	shalt  }
0x53: {  	_ =	shalt  }
0x54: {  	_ =	shalt  }
0x55: {  	_ =	shalt  }
0x56: {  	_ =	shalt  }
0x57: {  	_ =	shalt  }
0x58: {  	_ =	shalt  }
0x59: {  	_ =	shalt  }
0x5a: {  	_ =	shalt  }
0x5b: {  	_ =	shalt  }
0x5c: {  	_ =	shalt  }
0x5d: {  	_ =	shalt  }
0x5e: {  	_ =	shalt  }
0x5f: {  	_ =	shalt  }
0x60: {  	_ =	shalt  }
0x61: {  	_ =	shalt  }
0x62: {  	_ =	shalt  }
0x63: {  	_ =	shalt  }
0x64: {  	_ =	shalt  }
0x65: {  	_ =	shalt  }
0x66: {  	_ =	shalt  }
0x67: {  	_ =	shalt  }
0x68: {  	_ =	shalt  }
0x69: {  	_ =	shalt  }
0x6a: {  	_ =	shalt  }
0x6b: {  	_ =	shalt  }
0x6c: {  	_ =	shalt  }
0x6d: {  	_ =	shalt  }
0x6e: {  	_ =	shalt  }
0x6f: {  	_ =	shalt  }
0x70: {  	_ =	shalt  }
0x71: {  	_ =	shalt  }
0x72: {  	_ =	shalt  }
0x73: {  	_ =	shalt  }
0x74: {  	_ =	shalt  }
0x75: {  	_ =	shalt  }
0x76: {  	_ =	shalt  }
0x77: {  	_ =	shalt  }
0x78: {  	_ =	shalt  }
0x79: {  	_ =	shalt  }
0x7a: {  	_ =	shalt  }
0x7b: {  	_ =	shalt  }
0x7c: {  	_ =	shalt  }
0x7d: {  	_ =	shalt  }
0x7e: {  	_ =	shalt  }
0x7f: {  	_ =	shalt  }
0x80: {  	_ =	shalt  }
0x81: {  	_ =	shalt  }
0x82: {  	_ =	shalt  }
0x83: {  	_ =	shalt  }
0x84: {  	_ =	shalt  }
0x85: {  	_ =	shalt  }
0x86: {  	_ =	shalt  }
0x87: {  	_ =	shalt  }
.Lfunc_end0:
.L_simem_size_0:
called_computation.1_lowered:
.L_overlay_start_0:
0x88: {  	s2 =	sld [smem:$0x3FD9]  }
0x89: {  	s3 =	sld [smem:$0x3FFE];
	_ =	sdelay $0x1  }
0x8a: {  	s1 =	srdreg.scid  }
0x8b: {  	s0 =	sand.u32 $0x1, s1  }
0x8c: {  	s16 =	sshll.u32 s0, $0xA;
	s2 =	sadd.s32 s3, s2  }
0x8d: {  	s2 =	sadd.s32 s2, s16  }
0x8e: {  	[smem:$0x3FB7] =	sst s2  }
0x8f: {  	_ = 	snop  }
0x90: {  	(tm) =	ssettm $0x1  }
0x91: {  	s17 =	sld [smem:$0x3FFB];
	_ =	sdelay $0x3  }
0x92: {  	_ =	strace s17  }
0x93: {  	s2 =	sld [smem:$0x3FFC];
	_ =	sdelay $0x3  }
0x94: {  	_ =	strace s2  }
0x95: {  	s2 =	sld [smem:$0x3FFD];
	_ =	sdelay $0x3  }
0x96: {  	_ =	strace s2  }
0x97: {  	_ =	strace $0x8FFFFFFF  }
0x98: {  	s18 =	sld [smem:$0x3FDB];
	_ =	sdelay $0x1  }
0x99: {  	s19 =	simm.s32 $_scs_section_size  }
0x9a: {  	s4 =	simm.s32 $_size__tile_overlayer_lowered;
	s5 =	simm.s32 $_tile_overlayer_lowered  }
0x9b: {  	s22 =	simm.s32 $0x1BFF;
	s21 =	sshll.u32 s5, $0x1;
	s2 =	sadd.s32 s19, s18  }
0x9c: {  	s6 =	simm.s32 $0x0;
	s20 =	sshll.u32 s4, $0x1;
	s4 =	sadd.s32 s21, s2  }
0x9d: {  	[timem:s6], [sflag:s22] =	dma.local [hbm:s4], s20  }
0x9e: {  	_ =	swait.ge [sflag:s22], s20  }
0x9f: {  	s3 =	ssub.s32 $0x0, s20;
	[sflag:s22] =	ssyncset.done $0x0  }
0xa0: {  	[sflag:s22] =	ssyncadd.s32 s3;
	_ =	sdelay $0x1  }
0xa1: {  	s23 =	simm.s32 $0x1B8B  }
0xa2: {  	_ =	swait.ge [sflag:s23], $0x1  }
0xa3: {  	[sflag:s23] =	ssyncset.done $0x0  }
0xa4: {  	s25 =	simm.s32 $0x1B8E;
	s24 =	sld [smem:$0x3FFE];
	[sflag:s23] =	ssyncadd.s32 $0xFFFFFFFF  }
0xa5: {  	s26 =	simm.s32 $execute0_lowered;
	[smem:$0x3FD2] =	sst s25  }
0xa6: {  	s4 =	sshll.u32 s26, $0x1;
	_ =	strace $0x80000049;
	[dreg:$0x1] =	wrdreg $0xFFFFFFFF  }
0xa7: {  	s28 =	simm.s32 $_size_execute0_lowered;
	s2 =	sadd.s32 s2, s4;
	[dreg:$0x0] =	wrdreg $0x0  }
0xa8: {  	s4 =	sshll.u32 s28, $0x1;
	[dreg:$0x2] =	wrdreg s2  }
0xa9: {  	[dreg:$0x3] =	wrdreg s4  }
0xaa: {  	[dreg:$0x4] =	wrdreg $0xC0  }
0xab: {  	_ =	task [dreg:s6], $0x5FFFF  }
0xac: {  	[dreg:$0x1] =	wrdreg $0xFFFFFFFF  }
0xad: {  	[dreg:$0x0] =	wrdreg $0x60  }
0xae: {  	[dreg:$0x2] =	wrdreg s24  }
0xaf: {  	[dreg:$0x3] =	wrdreg $0x9  }
0xb0: {  	_ =	task.clear_ibuf [dreg:s6], $0x4FFFF;
	_ =	strace $0x90000049  }
0xb1: {  	s29 =	simm.s32 $0x9;
	_ =	strace $0x8000004B  }
0xb2: {  	_ =	swait.ge [sflag:s29], $0x1  }
0xb3: {  	[sflag:s29] =	ssyncadd.s32 $0xFFFFFFFF  }
0xb4: {  	_ =	strace $0x9000004B  }
0xb5: {  	_ =	sfence  }
0xb6: {  	s30 =	sld [smem:$0x0];
	_ =	sdelay $0x2  }
0xb7: {  	s31 =	sshll.u32 s1, $0xD;
	s1 =	sshrl.u32 s1, $0x2  }
0xb8: {  	s3 =	sand.u32 $0x4000, s31;
	s1 =	sadd.s32 s1, s30  }
0xb9: {  	s0 =	sor.u32 s3, s0;
	s1 =	sshll.u32 s1, $0x11  }
0xba: {  	s0 =	sor.u32 s1, s0  }
0xbb: {  	s0 =	sadd.s32 $0x8F2B, s0  }
0xbc: {  	[sflag:s0] =	ssyncadd.remote.s32 $0x1  }
0xbd: {  	_ =	sfence.sel $0xFFFF  }
0xbe: {  	[dreg:$0x0] =	wrdreg $0xFFFFFFFF;
	(pc) =	sbr.abs _section_cstart, $3  }
0xbf: {  	[dreg:$0x1] =	wrdreg $0xFFFFFFFF  }
0xc0: {  	_ =	task.clear_ibuf [dreg:s6], $0x2FFFF;
	_ =	strace $0x9FFFFFFF  }
0xc1: {  	(tm) =	ssettm $0x7FFFFFFF  }
tec
execute0_lowered:
.L_overlay_start_1:
0x0: {  	(tag) =	ssettag $0x1  }
0x1: {  	s0 =	srdreg.scid;
	s5 =	rddreg [dreg:$0x0]  }
0x2: {  	s2 =	simm.s32 $0x0;
	s11 =	simm.s32 $0x80;
	s12 =	simm.s32 $0x100  }
0x3: {  	s13 =	simm.s32 $0x2800;
	s14 =	simm.s32 $0x5000;
	s15 =	simm.s32 $0x400  }
0x4: {  	s16 =	simm.s32 $0x7800;
	s17 =	simm.s32 $0xC680;
	s4 =	sand.u32 $0x1, s0  }
0x5: {  	s18 =	simm.s32 $0x1;
	s0 =	stileid.u32;
	s1 =	sshll.u32 s4, $0x4  }
0x6: {  	s19 =	simm.s32 $0x2;
	s20 =	simm.s32 $0x11500;
	s3 =	sor.u32 s0, s1  }
0x7: {  	s21 =	simm.s32 $0x3;
	s22 =	simm.s32 $0x16380;
	s3 =	sshrl.u32 s3, $0x3  }
0x8: {  	s23 =	simm.s32 $0x0;
	s30 =	sshll.u32 s0, $0x7;
	s6 =	smul.u32 $0x27400, s3  }
0x9: {  	[smem:$0x7FF] =	sst s2;
	s31 =	ssub.s32 $0x2, s4;
	s7 =	sand.u32 $0x380, s30  }
0xa: {  	s4 =	sadd.s32 $0x2B200, s5;
	s1 =	rddreg [dreg:$0x1];
	s6 =	sor.u32 s7, s6  }
0xb: {  	_ =	strace $0x8000004A;
	s8 =	sshrl.u32 s31, $0x1;
	s6 =	sshrl.u32 s6, $0x3  }
0xc: {  	s10 =	ssub.s32 s31, s8;
	s3 =	sadd.s32 $0x2B800, s5;
	s9 =	sadd.s32 s6, s5  }
0xd: {  	s10 =	smax.u32 s10, $0x1;
	s5 =	sadd.s32 $0x2B810, s5;
	s6 =	sadd.s32 $0x2E00, s9  }
0xe: {  	s7 =	sadd.s32 $0x17800, s9;
	s8 =	sadd.s32 $0x2C200, s9;
	s9 =	sadd.s32 $0x3FC00, s9  }
.LBB2_1:
0xf: {  	[tilespmem:s2], [sflag:$0x1] =	stream.strided.gather [hbm4b:s3+s11], $0x2800, s12, s11, $0x38;
	[tilespmem:$0x1B200] =	vst v63  }
0x10: {  	_ = 	snop  }
0x11: {  	[tilespmem:s13], [sflag:$0x1] =	stream.strided.gather [hbm4b:s5+s11], $0x2800, s12, s11, $0x38;
	[tilespmem:$0x1B200] =	vst v63  }
0x12: {  	_ = 	snop  }
0x13: {  	[tilespmem:s14], [sflag:$0x2] =	stream.linear.gather [hbm4b:s4+s2], $0x2800, $0x38;
	[tilespmem:$0x1B200] =	vst v63  }
0x14: {  	_ = 	snop  }
0x15: {  	[tilespmem:s16], [sflag:$0x2] =	stream.strided.gather [hbm4b:s6+s11], $0x4E80, s15, s11, $0x38;
	[tilespmem:$0x1B200] =	vst v63  }
0x16: {  	_ = 	snop  }
0x17: {  	[tilespmem:s17], [sflag:$0x2] =	stream.strided.gather [hbm4b:s7+s11], $0x4E80, s15, s11, $0x38;
	[tilespmem:$0x1B200] =	vst v63  }
0x18: {  	_ =	swait.ge [sflag:s18], $0x2800  }
0x19: {  	[sflag:s18] =	ssyncset.done $0x0  }
0x1a: {  	[sflag:s18] =	ssyncadd.s32 $0xFFFFD800  }
0x1b: {  	_ =	swait.ge [sflag:s18], $0x2800  }
0x1c: {  	[sflag:s18] =	ssyncset.done $0x0  }
0x1d: {  	s24 =	simm.s32 $0x0;
	[sflag:s18] =	ssyncadd.s32 $0xFFFFD800  }
0x1e: {  	s25 =	simm.s32 $0x40;
	v0 =	vld [tilespmem:s24+$0x2800]  }
.LBB2_2:
0x1f: {  	p0 =	sne.s32 s25, $0x9FC0;
	v1 =	vld [tilespmem:s24+$0x0];
	_ =	sdelay $0x2  }
.Ltmp0:
0x20: {  	(pc) =	sbr.rel @p0 .LBB2_2-.Ltmp0, $4  }
0x21: {  	_ = 	snop  }
0x22: {  	v1 =	vadd.f32 v0, v1  }
0x23: {  	s26 =	sshra.s32 s25, $0x2  }
0x24: {  	s25 =	sadd.s32 $0x40, s25;
	v0 =	vld [tilespmem:s26+$0x2800];
	[tilespmem:s24+$0x0] =	vst v1;
	s24 =	smov.u32 s26  }
0x25: {  	v1 =	vld [tilespmem:s24+$0x0];
	_ =	sdelay $0x4  }
0x26: {  	v0 =	vadd.f32 v0, v1;
	_ =	sdelay $0x1  }
0x27: {  	[tilespmem:s24+$0x0] =	vst v0  }
0x28: {  	_ =	swait.ge [sflag:s19], $0x2800  }
0x29: {  	[sflag:s19] =	ssyncset.done $0x0  }
0x2a: {  	[sflag:s19] =	ssyncadd.s32 $0xFFFFD800  }
0x2b: {  	_ =	swait.ge [sflag:s19], $0x4E80  }
0x2c: {  	[sflag:s19] =	ssyncset.done $0x0  }
0x2d: {  	[sflag:s19] =	ssyncadd.s32 $0xFFFFB180  }
0x2e: {  	_ =	swait.ge [sflag:s19], $0x4E80  }
0x2f: {  	[sflag:s19] =	ssyncset.done $0x0  }
0x30: {  	s24 =	simm.s32 $0x0;
	[sflag:s19] =	ssyncadd.s32 $0xFFFFB180  }
0x31: {  	v0 =	vld [tilespmem:s24+$0x7800];
	_ =	sdelay $0x7  }
0x32: {  	v0 =	vld.idx.msk [tilespmem:v0+s2+$0x0], $0xffff;
	_ =	sdelay $0x4  }
0x33: {  	v0 =	vmax.f32 v0, $1.000000000e+00  }
0x34: {  	(erf) = vrcp.f32 v0;
	_ =	sdelay $0x2  }
0x35: {  	v0 =	vld [tilespmem:s24+$0xC680];
	_ =	sdelay $0x5  }
0x36: {  	v1 =	vpop (erf)  }
0x37: {  	[tilespmem:s24+$0x11500] =	vst v1;
	v1 =	vld [tilespmem:s24+$0x7810]  }
0x38: {  	v0 =	vld.idx.msk [tilespmem:v0+s14+$0x0], $0xffff;
	_ =	sdelay $0x4  }
0x39: {  	v0 =	vcvt.s32.f32 v0;
	_ =	sdelay $0x1  }
0x3a: {  	[tilespmem:s24+$0x16380] =	vst v0  }
0x3b: {  	v0 =	vld.idx.msk [tilespmem:v1+s2+$0x0], $0xffff;
	_ =	sdelay $0x4  }
0x3c: {  	v0 =	vmax.f32 v0, $1.000000000e+00  }
0x3d: {  	(erf) = vrcp.f32 v0;
	_ =	sdelay $0x2  }
0x3e: {  	v0 =	vld [tilespmem:s24+$0xC690];
	_ =	sdelay $0x5  }
0x3f: {  	v1 =	vpop (erf)  }
0x40: {  	[tilespmem:s24+$0x11510] =	vst v1;
	v1 =	vld [tilespmem:s24+$0x7820]  }
0x41: {  	v0 =	vld.idx.msk [tilespmem:v0+s14+$0x0], $0xffff;
	_ =	sdelay $0x4  }
0x42: {  	v0 =	vcvt.s32.f32 v0;
	_ =	sdelay $0x1  }
0x43: {  	[tilespmem:s24+$0x16390] =	vst v0  }
0x44: {  	v0 =	vld.idx.msk [tilespmem:v1+s2+$0x0], $0xffff;
	_ =	sdelay $0x4  }
0x45: {  	v0 =	vmax.f32 v0, $1.000000000e+00  }
0x46: {  	(erf) = vrcp.f32 v0;
	_ =	sdelay $0x2  }
0x47: {  	v0 =	vld [tilespmem:s24+$0xC6A0];
	_ =	sdelay $0x5  }
0x48: {  	v1 =	vpop (erf)  }
0x49: {  	[tilespmem:s24+$0x11520] =	vst v1;
	v1 =	vld [tilespmem:s24+$0x7830]  }
0x4a: {  	v0 =	vld.idx.msk [tilespmem:v0+s14+$0x0], $0xffff;
	_ =	sdelay $0x4  }
0x4b: {  	v0 =	vcvt.s32.f32 v0;
	_ =	sdelay $0x1  }
0x4c: {  	[tilespmem:s24+$0x163A0] =	vst v0  }
0x4d: {  	v0 =	vld.idx.msk [tilespmem:v1+s2+$0x0], $0xffff;
	_ =	sdelay $0x4  }
0x4e: {  	v0 =	vmax.f32 v0, $1.000000000e+00  }
0x4f: {  	(erf) = vrcp.f32 v0;
	_ =	sdelay $0x2  }
0x50: {  	v0 =	vld [tilespmem:s24+$0xC6B0];
	_ =	sdelay $0x5  }
0x51: {  	v1 =	vpop (erf)  }
0x52: {  	[tilespmem:s24+$0x11530] =	vst v1;
	v1 =	vld [tilespmem:s24+$0x7840]  }
0x53: {  	v0 =	vld.idx.msk [tilespmem:v0+s14+$0x0], $0xffff;
	_ =	sdelay $0x4  }
0x54: {  	v0 =	vcvt.s32.f32 v0;
	_ =	sdelay $0x1  }
0x55: {  	[tilespmem:s24+$0x163B0] =	vst v0  }
0x56: {  	v0 =	vld.idx.msk [tilespmem:v1+s2+$0x0], $0xffff;
	_ =	sdelay $0x4  }
0x57: {  	v0 =	vmax.f32 v0, $1.000000000e+00  }
0x58: {  	(erf) = vrcp.f32 v0;
	_ =	sdelay $0x2  }
0x59: {  	v0 =	vld [tilespmem:s24+$0xC6C0];
	_ =	sdelay $0x5  }
0x5a: {  	v1 =	vpop (erf)  }
0x5b: {  	[tilespmem:s24+$0x11540] =	vst v1  }
0x5c: {  	s26 =	simm.s32 $0x50;
	s25 =	simm.s32 $0x280;
	v0 =	vld.idx.msk [tilespmem:v0+s14+$0x0], $0xffff  }
.LBB2_4:
0x5d: {  	p0 =	sne.s32 s25, $0x13740;
	v1 =	vld [tilespmem:s26+$0x7800];
	_ =	sdelay $0x4  }
0x5e: {  	v0 =	vcvt.s32.f32 v0;
	_ =	sdelay $0x1  }
0x5f: {  	[tilespmem:s24+$0x163C0] =	vst v0;
	s24 =	smov.u32 s26  }
0x60: {  	v0 =	vld.idx.msk [tilespmem:v1+s2+$0x0], $0xffff;
	_ =	sdelay $0x5  }
0x61: {  	v0 =	vmax.f32 v0, $1.000000000e+00  }
0x62: {  	(erf) = vrcp.f32 v0;
	_ =	sdelay $0x2  }
0x63: {  	v0 =	vld [tilespmem:s24+$0xC680];
	_ =	sdelay $0x5  }
0x64: {  	v1 =	vpop (erf)  }
0x65: {  	[tilespmem:s24+$0x11500] =	vst v1  }
0x66: {  	v0 =	vld.idx.msk [tilespmem:v0+s14+$0x0], $0xffff  }
0x67: {  	v1 =	vld [tilespmem:s24+$0x7810];
	_ =	sdelay $0x4  }
0x68: {  	v0 =	vcvt.s32.f32 v0;
	_ =	sdelay $0x1  }
0x69: {  	[tilespmem:s24+$0x16380] =	vst v0  }
0x6a: {  	v0 =	vld.idx.msk [tilespmem:v1+s2+$0x0], $0xffff;
	_ =	sdelay $0x5  }
0x6b: {  	v0 =	vmax.f32 v0, $1.000000000e+00  }
0x6c: {  	(erf) = vrcp.f32 v0;
	_ =	sdelay $0x2  }
0x6d: {  	v0 =	vld [tilespmem:s24+$0xC690];
	_ =	sdelay $0x5  }
0x6e: {  	v1 =	vpop (erf)  }
0x6f: {  	[tilespmem:s24+$0x11510] =	vst v1  }
0x70: {  	v0 =	vld.idx.msk [tilespmem:v0+s14+$0x0], $0xffff  }
0x71: {  	v1 =	vld [tilespmem:s24+$0x7820];
	_ =	sdelay $0x4  }
0x72: {  	v0 =	vcvt.s32.f32 v0;
	_ =	sdelay $0x1  }
0x73: {  	[tilespmem:s24+$0x16390] =	vst v0  }
0x74: {  	v0 =	vld.idx.msk [tilespmem:v1+s2+$0x0], $0xffff;
	_ =	sdelay $0x5  }
0x75: {  	v0 =	vmax.f32 v0, $1.000000000e+00  }
0x76: {  	(erf) = vrcp.f32 v0;
	_ =	sdelay $0x2  }
0x77: {  	v0 =	vld [tilespmem:s24+$0xC6A0];
	_ =	sdelay $0x5  }
0x78: {  	v1 =	vpop (erf)  }
0x79: {  	[tilespmem:s24+$0x11520] =	vst v1  }
0x7a: {  	v0 =	vld.idx.msk [tilespmem:v0+s14+$0x0], $0xffff  }
0x7b: {  	v1 =	vld [tilespmem:s24+$0x7830];
	_ =	sdelay $0x4  }
0x7c: {  	v0 =	vcvt.s32.f32 v0;
	_ =	sdelay $0x1  }
0x7d: {  	[tilespmem:s24+$0x163A0] =	vst v0  }
0x7e: {  	v0 =	vld.idx.msk [tilespmem:v1+s2+$0x0], $0xffff;
	_ =	sdelay $0x5  }
0x7f: {  	v0 =	vmax.f32 v0, $1.000000000e+00  }
0x80: {  	(erf) = vrcp.f32 v0;
	_ =	sdelay $0x2  }
0x81: {  	v0 =	vld [tilespmem:s24+$0xC6B0];
	_ =	sdelay $0x5  }
0x82: {  	v1 =	vpop (erf)  }
0x83: {  	[tilespmem:s24+$0x11530] =	vst v1  }
0x84: {  	v0 =	vld.idx.msk [tilespmem:v0+s14+$0x0], $0xffff  }
0x85: {  	v1 =	vld [tilespmem:s24+$0x7840];
	_ =	sdelay $0x4  }
0x86: {  	v0 =	vcvt.s32.f32 v0;
	_ =	sdelay $0x1  }
0x87: {  	[tilespmem:s24+$0x163B0] =	vst v0  }
0x88: {  	v0 =	vld.idx.msk [tilespmem:v1+s2+$0x0], $0xffff;
	_ =	sdelay $0x5  }
0x89: {  	v0 =	vmax.f32 v0, $1.000000000e+00  }
0x8a: {  	(erf) = vrcp.f32 v0;
	_ =	sdelay $0x2  }
0x8b: {  	v0 =	vld [tilespmem:s24+$0xC6C0];
	_ =	sdelay $0x3  }
.Ltmp1:
0x8c: {  	(pc) =	sbr.rel @p0 .LBB2_4-.Ltmp1, $4  }
0x8d: {  	_ = 	snop  }
0x8e: {  	v1 =	vpop (erf)  }
0x8f: {  	[tilespmem:s24+$0x11540] =	vst v1  }
0x90: {  	s26 =	sshra.s32 s25, $0x2;
	s25 =	sadd.s32 $0x140, s25;
	v0 =	vld.idx.msk [tilespmem:v0+s14+$0x0], $0xffff  }
0x91: {  	v1 =	vld [tilespmem:s26+$0x7800];
	_ =	sdelay $0x4  }
0x92: {  	v0 =	vcvt.s32.f32 v0;
	_ =	sdelay $0x1  }
0x93: {  	[tilespmem:s24+$0x163C0] =	vst v0  }
0x94: {  	v0 =	vld.idx.msk [tilespmem:v1+s2+$0x0], $0xffff;
	_ =	sdelay $0x4  }
0x95: {  	v0 =	vmax.f32 v0, $1.000000000e+00  }
0x96: {  	(erf) = vrcp.f32 v0;
	_ =	sdelay $0x2  }
0x97: {  	v50 =	vld [tilespmem:s26+$0xC680];
	_ =	sdelay $0x5  }
0x98: {  	v51 =	vpop (erf)  }
0x99: {  	v52 =	vld [tilespmem:s26+$0x7810];
	[tilespmem:s26+$0x11500] =	vst v51  }
0x9a: {  	v0 =	vld.idx.msk [tilespmem:v50+s14+$0x0], $0xffff;
	_ =	sdelay $0x4  }
0x9b: {  	v0 =	vcvt.s32.f32 v0;
	_ =	sdelay $0x1  }
0x9c: {  	[tilespmem:s26+$0x16380] =	vst v0  }
0x9d: {  	v0 =	vld.idx.msk [tilespmem:v52+s2+$0x0], $0xffff;
	_ =	sdelay $0x4  }
0x9e: {  	v0 =	vmax.f32 v0, $1.000000000e+00  }
0x9f: {  	(erf) = vrcp.f32 v0;
	_ =	sdelay $0x2  }
0xa0: {  	v53 =	vld [tilespmem:s26+$0xC690];
	_ =	sdelay $0x5  }
0xa1: {  	v54 =	vpop (erf)  }
0xa2: {  	v55 =	vld [tilespmem:s26+$0x7820];
	[tilespmem:s26+$0x11510] =	vst v54  }
0xa3: {  	v0 =	vld.idx.msk [tilespmem:v53+s14+$0x0], $0xffff;
	_ =	sdelay $0x4  }
0xa4: {  	v0 =	vcvt.s32.f32 v0;
	_ =	sdelay $0x1  }
0xa5: {  	[tilespmem:s26+$0x16390] =	vst v0  }
0xa6: {  	v0 =	vld.idx.msk [tilespmem:v55+s2+$0x0], $0xffff;
	_ =	sdelay $0x4  }
0xa7: {  	v0 =	vmax.f32 v0, $1.000000000e+00  }
0xa8: {  	(erf) = vrcp.f32 v0;
	_ =	sdelay $0x2  }
0xa9: {  	v56 =	vld [tilespmem:s26+$0xC6A0];
	_ =	sdelay $0x5  }
0xaa: {  	v57 =	vpop (erf)  }
0xab: {  	v58 =	vld [tilespmem:s26+$0x7830];
	[tilespmem:s26+$0x11520] =	vst v57  }
0xac: {  	v0 =	vld.idx.msk [tilespmem:v56+s14+$0x0], $0xffff;
	_ =	sdelay $0x4  }
0xad: {  	v0 =	vcvt.s32.f32 v0;
	_ =	sdelay $0x1  }
0xae: {  	[tilespmem:s26+$0x163A0] =	vst v0  }
0xaf: {  	v0 =	vld.idx.msk [tilespmem:v58+s2+$0x0], $0xffff;
	_ =	sdelay $0x4  }
0xb0: {  	v0 =	vmax.f32 v0, $1.000000000e+00  }
0xb1: {  	(erf) = vrcp.f32 v0;
	_ =	sdelay $0x2  }
0xb2: {  	v59 =	vld [tilespmem:s26+$0xC6B0];
	_ =	sdelay $0x5  }
0xb3: {  	v60 =	vpop (erf)  }
0xb4: {  	v61 =	vld [tilespmem:s26+$0x7840];
	[tilespmem:s26+$0x11530] =	vst v60  }
0xb5: {  	v0 =	vld.idx.msk [tilespmem:v59+s14+$0x0], $0xffff;
	_ =	sdelay $0x4  }
0xb6: {  	v0 =	vcvt.s32.f32 v0;
	_ =	sdelay $0x1  }
0xb7: {  	[tilespmem:s26+$0x163B0] =	vst v0  }
0xb8: {  	v0 =	vld.idx.msk [tilespmem:v61+s2+$0x0], $0xffff;
	_ =	sdelay $0x4  }
0xb9: {  	v0 =	vmax.f32 v0, $1.000000000e+00  }
0xba: {  	(erf) = vrcp.f32 v0;
	_ =	sdelay $0x2  }
0xbb: {  	v62 =	vld [tilespmem:s26+$0xC6C0];
	_ =	sdelay $0x5  }
0xbc: {  	v63 =	vpop (erf)  }
0xbd: {  	[tilespmem:s26+$0x11540] =	vst v63  }
0xbe: {  	v0 =	vld.idx.msk [tilespmem:v62+s14+$0x0], $0xffff;
	_ =	sdelay $0x4  }
0xbf: {  	v0 =	vcvt.s32.f32 v0;
	_ =	sdelay $0x1  }
0xc0: {  	[tilespmem:s26+$0x163C0] =	vst v0  }
0xc1: {  	[hbm4b:s8+s11] =	stream.strided.scatter [tilespmem:s20], [sflag:$0x3], $0x4E80, s15, s11, $0x38;
	[tilespmem:$0x1B200] =	vst v63  }
0xc2: {  	s23 =	sadd.s32 $0x1, s23;
	_ =	swait.ge [sflag:s21], $0x4E80  }
0xc3: {  	p0 =	sne.s32 s23, s10;
	[sflag:s21] =	ssyncset.done $0x0  }
.Ltmp2:
0xc4: {  	[sflag:s21] =	ssyncadd.s32 $0xFFFFB180;
	(pc) =	sbr.rel @p0 .LBB2_1-.Ltmp2, $4  }
0xc5: {  	[hbm4b:s9+s11] =	stream.strided.scatter [tilespmem:s22], [sflag:$0x3], $0x4E80, s15, s11, $0x38;
	[tilespmem:$0x1B200] =	vst v63  }
0xc6: {  	_ =	swait.ge [sflag:s21], $0x4E80  }
0xc7: {  	[sflag:s21] =	ssyncset.done $0x0  }
0xc8: {  	[sflag:s21] =	ssyncadd.s32 $0xFFFFB180  }
0xc9: {  	_ =	sfence.sel $0x180000  }
0xca: {  	[bflag:$0x0] =	sbarrier.arrive $0xFFFF  }
0xcb: {  	p0 =	sne.s32 s0, $0x0;
	_ =	strace $0x9000004A  }
0xcc: {  	s0 =	sadd.s32 @!p0 $0x100000, s1;
	[bflag:$0x2] =	sbarrier.arrive $0xFFFF  }
0xcd: {  	[sflag:s0] =	ssyncadd.tile.s32 @!p0 $0x1;
	_ =	shalt  }
.Lfunc_end2:
_tile_overlayer_lowered:
.L_overlay_start_2:
0xce: {  	(tag) =	ssettag $0x2  }
0xcf: {  	s0 =	rddreg [dreg:$0x0];
	s2 =	stileid.u32  }
0xd0: {  	s1 =	rddreg [dreg:$0x1];
	p0 =	sne.s32 s2, $0x0  }
0xd1: {  	s3 =	rddreg [dreg:$0x2];
	[bflag:$0x3] =	sbarrier.arrive $0xFFFF;
	s2 =	simm.s32 @!p0 $0x1C03  }
0xd2: {  	[timem:s3], [sflag:s2] =	dma.local @!p0 [hbm:s0], s1  }
0xd3: {  	s0 =	simm.s32 @!p0 $0x3  }
0xd4: {  	_ =	swait.ge @!p0 [sflag:s0], s1  }
0xd5: {  	s1 =	ssub.s32 @!p0 $0x0, s1;
	[sflag:s0] =	ssyncset.done @!p0 $0x0  }
0xd6: {  	[sflag:s0] =	ssyncadd.s32 @!p0 s1  }
0xd7: {  	[bflag:$0x3] =	sbarrier.arrive $0xFFFF  }
0xd8: {  	_ =	shalt  }

</sc_bundles>
